<compile_context>
chip_gen: v7x
topology: tpu7x:2x2x1
jax: 0.10.2.dev20260603
libtpu: 0.0.44.dev20260713+nightly
codegen_flags: <defaults>
</compile_context>

<pallas_src>
import dataclasses
import functools

import jax
import jax.numpy as jnp
from jax import lax
from jax.experimental import pallas as pl
from jax.experimental.pallas import tpu as pltpu
from jax.experimental.pallas import tpu_sc as plsc

V = 1000
VP = 1024
B = 4096
T = 20
N = B * T
L = 16
NW = 32
BPT = B // NW
CPT = N // NW
K = 16
NC = CPT // K
RING = 80
GS = RING // K
OS = RING // T


def _lse_rows(table):

    def body(t_ref, o_ref):
        t = t_ref[...]
        m = jnp.max(t, axis=1, keepdims=True)
        s = jnp.sum(jnp.exp(t - m), axis=1, keepdims=True)
        o_ref[...] = jnp.log(s) + m

    return pl.pallas_call(
        body,
        out_shape=jax.ShapeDtypeStruct((V, 1), jnp.float32),
    )(table)


def _mean_partials(partials):

    def body(p_ref, o_ref):
        s = jnp.sum(p_ref[...], axis=1, keepdims=True)
        o_ref[...] = jnp.sum(s, axis=0, keepdims=True) * jnp.float32(1.0 / N)

    return pl.pallas_call(
        body,
        out_shape=jax.ShapeDtypeStruct((1, 1), jnp.float32),
    )(partials)


def _relayout(flat3):
    BB = 128

    def body(i_ref, o_ref):
        x = i_ref[...].reshape(BB, VP)
        o_ref[...] = jnp.transpose(x[:, :V], (1, 0))

    return pl.pallas_call(
        body,
        grid=(T, B // BB),
        in_specs=[pl.BlockSpec((BB, 8, 128), lambda t, b: (b, t, 0))],
        out_specs=pl.BlockSpec((V, BB), lambda t, b: (t, b)),
        out_shape=jax.ShapeDtypeStruct((T * V, B), jnp.float32),
    )(flat3)


def _sc_gather_and_nll(table, idx_flat, tgt_flat, lse):
    mesh = plsc.VectorSubcoreMesh(core_axis_name="c", subcore_axis_name="s")
    cp = pltpu.CompilerParams()
    if "needs_layout_passes" in pltpu.CompilerParams.__dataclass_fields__:
        cp = dataclasses.replace(cp, needs_layout_passes=False)
    if "use_tc_tiling_on_sc" in pltpu.CompilerParams.__dataclass_fields__:
        cp = dataclasses.replace(cp, use_tc_tiling_on_sc=False)

    @functools.partial(
        pl.kernel,
        compiler_params=cp,
        out_type=(
            jax.ShapeDtypeStruct((N, VP), jnp.float32),
            jax.ShapeDtypeStruct((NW, L), jnp.float32),
        ),
        mesh=mesh,
        scratch_types=[
            pltpu.VMEM((CPT,), jnp.int32),
            pltpu.VMEM((CPT,), jnp.int32),
            pltpu.VMEM((V,), jnp.float32),
            pltpu.VMEM((RING, VP), jnp.float32),
            pltpu.VMEM((L,), jnp.float32),
            pltpu.SemaphoreType.DMA,
            [pltpu.SemaphoreType.DMA] * GS,
            [pltpu.SemaphoreType.DMA] * OS,
        ],
    )
    def k(table_hbm, idx_hbm, tgt_hbm, lse_hbm, out_hbm, part_hbm,
          idx_v, tgt_v, lse_v, ring_v, acc_v, ssem, gsems, osems):
        wid = lax.axis_index("s") * 2 + lax.axis_index("c")
        rbase = wid * CPT
        bbase = wid * BPT

        pltpu.async_copy(idx_hbm.at[pl.ds(rbase, CPT)], idx_v, ssem).wait()
        pltpu.async_copy(tgt_hbm.at[pl.ds(rbase, CPT)], tgt_v, ssem).wait()
        pltpu.async_copy(lse_hbm, lse_v, ssem).wait()
        acc_v[...] = jnp.zeros((L,), jnp.float32)

        def start_gather(c, u):
            pltpu.async_copy(
                table_hbm.at[idx_v.at[pl.ds(c * K, K)]],
                ring_v.at[pl.ds(u * K, K)], gsems[u])

        def wait_gather(c, u):
            pltpu.make_async_copy(
                table_hbm.at[idx_v.at[pl.ds(c * K, K)]],
                ring_v.at[pl.ds(u * K, K)], gsems[u]).wait()

        def start_out(j, v):
            pltpu.async_copy(
                ring_v.at[pl.ds(v * T, T)],
                out_hbm.at[pl.ds(rbase + j * T, T)], osems[v])

        def wait_out(j, v):
            pltpu.make_async_copy(
                ring_v.at[pl.ds(v * T, T)],
                out_hbm.at[pl.ds(rbase + j * T, T)], osems[v]).wait()

        start_gather(0, 0)
        start_gather(1, 1)

        iota = lax.iota(jnp.int32, L)

        @pl.loop(0, NC // GS)
        def _(r):
            c0 = r * GS
            j0 = r * OS
            for u in range(GS):
                c = c0 + u
                wait_gather(c, u)

                idx16 = idx_v[pl.ds(c * K, L)]
                tgt16 = tgt_v[pl.ds(c * K, L)]
                row16 = iota + jnp.int32(u * K)
                vals = plsc.load_gather(ring_v, [row16, tgt16])
                lsev = plsc.load_gather(lse_v, [idx16])
                acc_v[...] += lsev - vals

                if u >= 1:
                    start_out(j0 + u - 1, u - 1)

                u2 = (u + 2) % GS
                c2 = c + 2
                if u2 != GS - 1:
                    @pl.when(jnp.logical_and(c2 >= GS, c2 < NC))
                    def _():
                        wait_out(j0 + (OS if u + 2 >= GS else 0) + u2 - OS,
                                 u2)

                @pl.when(c2 < NC)
                def _():
                    start_gather(c2, u2)

        last_j0 = (NC // GS - 1) * OS
        for v in range(OS):
            wait_out(last_j0 + v, v)

        pltpu.sync_copy(acc_v, part_hbm.at[wid])

    return k(table, idx_flat, tgt_flat, lse)


def kernel(index, target, table):
    idx_flat = index.reshape(N).astype(jnp.int32)
    tgt_flat = target.reshape(N).astype(jnp.int32)
    lse = _lse_rows(table).reshape(V)
    table_pad = jnp.pad(table, ((0, 0), (0, VP - V)))
    flat, partials = _sc_gather_and_nll(table_pad, idx_flat, tgt_flat, lse)
    logits_t = _relayout(flat.reshape(B, T * 8, 128))
    logits = jnp.transpose(logits_t.reshape(T, V, B), (2, 0, 1))
    loss = _mean_partials(partials)[0, 0]
    return logits, loss

# --- scband reference (transcript-rebuilt; emitter-appended) ---
"""Pipeline reference for scband-bigram-language-model-84043920048753 (READ-ONLY COPY).

The authoritative reference and input builder live on the scoring server;
editing this copy changes nothing except your own understanding.
"""

import jax, jax.numpy as jnp
import numpy as np

VOCAB = 1000
B, T = 4096, 20

def setup_inputs(seed: int = 0) -> dict:
    key = jax.random.key(seed)
    k1, k2, k3 = jax.random.split(key, 3)
    index = jax.random.randint(k1, (B, T), 0, VOCAB)
    target = jax.random.randint(k2, (B, T), 0, VOCAB)
    # nn.Embedding(vocab_size, vocab_size) weight, N(0,1) init like torch default
    table = jax.random.normal(k3, (VOCAB, VOCAB), dtype=jnp.float32)
    return {"index": index, "target": target, "table": table}

def reference(index, target, table):
    # logits = self.embeddings(index)
    logits = jnp.take(table, index, axis=0)  # [B, T, VOCAB]
    Bx, Tx, C = logits.shape
    logits_flat = logits.reshape(Bx * Tx, C)
    tgt = target.reshape(Bx * Tx)
    # F.cross_entropy(logits, target) with mean reduction
    logp = jax.nn.log_softmax(logits_flat, axis=-1)
    nll = -jnp.take_along_axis(logp, tgt[:, None], axis=1)[:, 0]
    loss = jnp.mean(nll)
    return (logits, loss)

if __name__ == "__main__":
    import jax
    _d = setup_inputs()
    print(jax.jit(kernel)(*tuple(_d.values())))

</pallas_src>

<mosaic_0001>
#map = affine_map<(d0, d1) -> (0, 0)>
#map1 = affine_map<(d0, d1) -> (0)>
module attributes {stable_mosaic.version = 14 : i64} {
  func.func @k(%arg0: i32, %arg1: i32, %arg2: memref<1000x1024xf32, #tpu.memory_space<hbm>>, %arg3: memref<81920xi32, #tpu.memory_space<hbm>>, %arg4: memref<81920xi32, #tpu.memory_space<hbm>>, %arg5: memref<1000xf32, #tpu.memory_space<hbm>>, %arg6: memref<81920x1024xf32, #tpu.memory_space<hbm>>, %arg7: memref<32x16xf32, #tpu.memory_space<hbm>>, %arg8: memref<2560xi32, #tpu.memory_space<vmem>>, %arg9: memref<2560xi32, #tpu.memory_space<vmem>>, %arg10: memref<1000xf32, #tpu.memory_space<vmem>>, %arg11: memref<80x1024xf32, #tpu.memory_space<vmem>>, %arg12: memref<16xf32, #tpu.memory_space<vmem>>, %arg13: memref<!tpu.dma_semaphore, #tpu.memory_space<semaphore_mem>>, %arg14: memref<!tpu.dma_semaphore, #tpu.memory_space<semaphore_mem>>, %arg15: memref<!tpu.dma_semaphore, #tpu.memory_space<semaphore_mem>>, %arg16: memref<!tpu.dma_semaphore, #tpu.memory_space<semaphore_mem>>, %arg17: memref<!tpu.dma_semaphore, #tpu.memory_space<semaphore_mem>>, %arg18: memref<!tpu.dma_semaphore, #tpu.memory_space<semaphore_mem>>, %arg19: memref<!tpu.dma_semaphore, #tpu.memory_space<semaphore_mem>>, %arg20: memref<!tpu.dma_semaphore, #tpu.memory_space<semaphore_mem>>, %arg21: memref<!tpu.dma_semaphore, #tpu.memory_space<semaphore_mem>>, %arg22: memref<!tpu.dma_semaphore, #tpu.memory_space<semaphore_mem>>) attributes {dimension_semantics = [#tpu.dimension_semantics<core_parallel>, #tpu.dimension_semantics<subcore_parallel>], iteration_bounds = array<i64: 2, 16>, scalar_prefetch = 0 : i64, scratch_operands = 15 : i64, tpu.core_type = #tpu.core_type<sc_vector_subcore>, window_params = [{transform_indices = #map}, {transform_indices = #map1}, {transform_indices = #map1}, {transform_indices = #map1}, {transform_indices = #map}, {transform_indices = #map}]} {
    %mul3A = arith.constant 2 : i32
    %mul3A_0 = arith.muli %arg1, %mul3A : i32
    %add3A = arith.addi %mul3A_0, %arg0 : i32
    %mul3A_1 = arith.constant 2560 : i32
    %mul3A_2 = arith.muli %add3A, %mul3A_1 : i32
    %mul3A_3 = arith.constant 128 : i32
    %mul3A_4 = arith.muli %add3A, %mul3A_3 : i32
    %dma_start3A = tpu.memref_slice %arg3[%mul3A_2] : memref<81920xi32, #tpu.memory_space<hbm>> -> memref<2560xi32, #tpu.memory_space<hbm>>
    %dma_start3A_5 = tpu.memref_slice %arg3[%mul3A_2] : memref<81920xi32, #tpu.memory_space<hbm>> -> memref<2560xi32, #tpu.memory_space<hbm>>
    tpu.enqueue_dma source(%dma_start3A_5 : memref<2560xi32, #tpu.memory_space<hbm>>) target(%arg8 : memref<2560xi32, #tpu.memory_space<vmem>>) target_semaphore(%arg13 : memref<!tpu.dma_semaphore, #tpu.memory_space<semaphore_mem>>)
    %dma_wait3A = tpu.memref_slice %arg3[%mul3A_2] : memref<81920xi32, #tpu.memory_space<hbm>> -> memref<2560xi32, #tpu.memory_space<hbm>>
    %dma_wait3A_6 = tpu.memref_slice %arg3[%mul3A_2] : memref<81920xi32, #tpu.memory_space<hbm>> -> memref<2560xi32, #tpu.memory_space<hbm>>
    tpu.wait_dma2 semaphore(%arg13 : memref<!tpu.dma_semaphore, #tpu.memory_space<semaphore_mem>>) src(%dma_wait3A_6 : memref<2560xi32, #tpu.memory_space<hbm>>) dst(%arg8 : memref<2560xi32, #tpu.memory_space<vmem>>)
    %dma_start3A_7 = tpu.memref_slice %arg4[%mul3A_2] : memref<81920xi32, #tpu.memory_space<hbm>> -> memref<2560xi32, #tpu.memory_space<hbm>>
    %dma_start3A_8 = tpu.memref_slice %arg4[%mul3A_2] : memref<81920xi32, #tpu.memory_space<hbm>> -> memref<2560xi32, #tpu.memory_space<hbm>>
    tpu.enqueue_dma source(%dma_start3A_8 : memref<2560xi32, #tpu.memory_space<hbm>>) target(%arg9 : memref<2560xi32, #tpu.memory_space<vmem>>) target_semaphore(%arg13 : memref<!tpu.dma_semaphore, #tpu.memory_space<semaphore_mem>>)
    %dma_wait3A_9 = tpu.memref_slice %arg4[%mul3A_2] : memref<81920xi32, #tpu.memory_space<hbm>> -> memref<2560xi32, #tpu.memory_space<hbm>>
    %dma_wait3A_10 = tpu.memref_slice %arg4[%mul3A_2] : memref<81920xi32, #tpu.memory_space<hbm>> -> memref<2560xi32, #tpu.memory_space<hbm>>
    tpu.wait_dma2 semaphore(%arg13 : memref<!tpu.dma_semaphore, #tpu.memory_space<semaphore_mem>>) src(%dma_wait3A_10 : memref<2560xi32, #tpu.memory_space<hbm>>) dst(%arg9 : memref<2560xi32, #tpu.memory_space<vmem>>)
    tpu.enqueue_dma source(%arg5 : memref<1000xf32, #tpu.memory_space<hbm>>) target(%arg10 : memref<1000xf32, #tpu.memory_space<vmem>>) target_semaphore(%arg13 : memref<!tpu.dma_semaphore, #tpu.memory_space<semaphore_mem>>)
    tpu.wait_dma2 semaphore(%arg13 : memref<!tpu.dma_semaphore, #tpu.memory_space<semaphore_mem>>) src(%arg5 : memref<1000xf32, #tpu.memory_space<hbm>>) dst(%arg10 : memref<1000xf32, #tpu.memory_space<vmem>>)
    %broadcast_in_dim3A = arith.constant 0.000000e+00 : f32
    %broadcast_in_dim3A_11 = vector.broadcast %broadcast_in_dim3A : f32 to vector<16xf32>
    %swap3A = arith.constant 0 : index
    %swap3A_12 = tpu.vector_load %arg12[%swap3A] {strides = array<i32>} : memref<16xf32, #tpu.memory_space<vmem>>, vector<16xf32>,
    tpu.vector_store %arg12[%swap3A], %broadcast_in_dim3A_11 {strides = array<i32>} : memref<16xf32, #tpu.memory_space<vmem>>, vector<16xf32>,
    %dma_start3A_13 = arith.constant 0 : i32
    %dma_start3A_14 = arith.constant 0 : i32
    %dma_start3A_15 = tpu.memref_slice %arg11[%dma_start3A_13, %dma_start3A_14] : memref<80x1024xf32, #tpu.memory_space<vmem>> -> memref<16x1024xf32, #tpu.memory_space<vmem>>
    %dma_start3A_16 = arith.constant 0 : i32
    %dma_start3A_17 = tpu.memref_slice %arg8[%dma_start3A_16] : memref<2560xi32, #tpu.memory_space<vmem>> -> memref<16xi32, #tpu.memory_space<vmem>>
    %dma_start3A_18 = arith.constant 0 : i32
    %dma_start3A_19 = arith.constant 0 : i32
    %dma_start3A_20 = tpu.memref_slice %arg2[%dma_start3A_18, %dma_start3A_19] : memref<1000x1024xf32, #tpu.memory_space<hbm>> -> memref<1000x1024xf32, #tpu.memory_space<hbm>>
    tpu.enqueue_indirect_dma source(%dma_start3A_20 : memref<1000x1024xf32, #tpu.memory_space<hbm>>) target(%dma_start3A_15 : memref<16x1024xf32, #tpu.memory_space<vmem>>) offsets(%dma_start3A_17 : memref<16xi32, #tpu.memory_space<vmem>>) semaphore(%arg14 : memref<!tpu.dma_semaphore, #tpu.memory_space<semaphore_mem>>)
    %dma_start3A_21 = arith.constant 16 : i32
    %dma_start3A_22 = arith.constant 0 : i32
    %dma_start3A_23 = tpu.memref_slice %arg11[%dma_start3A_21, %dma_start3A_22] : memref<80x1024xf32, #tpu.memory_space<vmem>> -> memref<16x1024xf32, #tpu.memory_space<vmem>>
    %dma_start3A_24 = arith.constant 16 : i32
    %dma_start3A_25 = tpu.memref_slice %arg8[%dma_start3A_24] : memref<2560xi32, #tpu.memory_space<vmem>> -> memref<16xi32, #tpu.memory_space<vmem>>
    %dma_start3A_26 = arith.constant 0 : i32
    %dma_start3A_27 = arith.constant 0 : i32
    %dma_start3A_28 = tpu.memref_slice %arg2[%dma_start3A_26, %dma_start3A_27] : memref<1000x1024xf32, #tpu.memory_space<hbm>> -> memref<1000x1024xf32, #tpu.memory_space<hbm>>
    tpu.enqueue_indirect_dma source(%dma_start3A_28 : memref<1000x1024xf32, #tpu.memory_space<hbm>>) target(%dma_start3A_23 : memref<16x1024xf32, #tpu.memory_space<vmem>>) offsets(%dma_start3A_25 : memref<16xi32, #tpu.memory_space<vmem>>) semaphore(%arg15 : memref<!tpu.dma_semaphore, #tpu.memory_space<semaphore_mem>>)
    %iota3A = tpu.iota {dimensions = array<i32: 0>} : vector<16xi32>
    %scan3A = arith.constant 0 : i32
    %scan3A_29 = arith.constant 32 : i32
    %scan3A_30 = arith.addi %scan3A, %scan3A_29 : i32
    %scan3A_31 = arith.constant 1 : i32
    scf.for %scan3A_81 = %scan3A to %scan3A_30 step %scan3A_31  : i32 {
      %mul3A_82 = arith.constant 1 : i32
      %mul3A_83 = arith.muli %scan3A_81, %mul3A_82 : i32
      %add3A_84 = arith.constant 0 : i32
      %add3A_85 = arith.addi %add3A_84, %mul3A_83 : i32
      %mul3A_86 = arith.constant 5 : i32
      %mul3A_87 = arith.muli %add3A_85, %mul3A_86 : i32
      %mul3A_88 = arith.constant 4 : i32
      %mul3A_89 = arith.muli %add3A_85, %mul3A_88 : i32
      %add3A_90 = arith.constant 0 : i32
      %add3A_91 = arith.addi %mul3A_87, %add3A_90 : i32
      %mul3A_92 = arith.constant 16 : i32
      %mul3A_93 = arith.muli %add3A_91, %mul3A_92 : i32
      %dma_wait3A_94 = arith.constant 0 : i32
      %dma_wait3A_95 = arith.constant 0 : i32
      %dma_wait3A_96 = tpu.memref_slice %arg11[%dma_wait3A_94, %dma_wait3A_95] : memref<80x1024xf32, #tpu.memory_space<vmem>> -> memref<16x1024xf32, #tpu.memory_space<vmem>>
      %dma_wait3A_97 = tpu.memref_slice %arg8[%mul3A_93] : memref<2560xi32, #tpu.memory_space<vmem>> -> memref<16xi32, #tpu.memory_space<vmem>>
      %dma_wait3A_98 = arith.constant 0 : i32
      %dma_wait3A_99 = arith.constant 0 : i32
      %dma_wait3A_100 = tpu.memref_slice %arg2[%dma_wait3A_98, %dma_wait3A_99] : memref<1000x1024xf32, #tpu.memory_space<hbm>> -> memref<1000x1024xf32, #tpu.memory_space<hbm>>
      tpu.wait_indirect_dma semaphore(%arg14 : memref<!tpu.dma_semaphore, #tpu.memory_space<semaphore_mem>>) src(%dma_wait3A_100 : memref<1000x1024xf32, #tpu.memory_space<hbm>>) dst(%dma_wait3A_96 : memref<16x1024xf32, #tpu.memory_space<vmem>>)
      %mul3A_101 = arith.constant 16 : i32
      %mul3A_102 = arith.muli %add3A_91, %mul3A_101 : i32
      %get3A = arith.index_cast %mul3A_102 : i32 to index
      %get3A_103 = tpu.vector_load %arg8[%get3A] {strides = array<i32>} : memref<2560xi32, #tpu.memory_space<vmem>>, vector<16xi32>,
      %mul3A_104 = arith.constant 16 : i32
      %mul3A_105 = arith.muli %add3A_91, %mul3A_104 : i32
      %get3A_106 = arith.index_cast %mul3A_105 : i32 to index
      %get3A_107 = tpu.vector_load %arg9[%get3A_106] {strides = array<i32>} : memref<2560xi32, #tpu.memory_space<vmem>>, vector<16xi32>,
      %add3A_108 = arith.constant 0 : i32
      %add3A_109 = vector.broadcast %add3A_108 : i32 to vector<16xi32>
      %add3A_110 = arith.addi %iota3A, %add3A_109 : vector<16xi32>
      %gather3A = tpu.vector_load_idx %arg11[%add3A_110, %get3A_107] : memref<80x1024xf32, #tpu.memory_space<vmem>>[vector<16xi32>, vector<16xi32>], vector<16xf32>,
      %gather3A_111 = tpu.vector_load_idx %arg10[%get3A_103] : memref<1000xf32, #tpu.memory_space<vmem>>[vector<16xi32>], vector<16xf32>,
      %get3A_112 = arith.constant 0 : index
      %get3A_113 = tpu.vector_load %arg12[%get3A_112] {strides = array<i32>} : memref<16xf32, #tpu.memory_space<vmem>>, vector<16xf32>,
      %sub3A = arith.subf %gather3A_111, %gather3A : vector<16xf32>
      %add3A_114 = arith.addf %get3A_113, %sub3A : vector<16xf32>
      %swap3A_115 = arith.constant 0 : index
      %swap3A_116 = tpu.vector_load %arg12[%swap3A_115] {strides = array<i32>} : memref<16xf32, #tpu.memory_space<vmem>>, vector<16xf32>,
      tpu.vector_store %arg12[%swap3A_115], %add3A_114 {strides = array<i32>} : memref<16xf32, #tpu.memory_space<vmem>>, vector<16xf32>,
      %add3A_117 = arith.constant 2 : i32
      %add3A_118 = arith.addi %add3A_91, %add3A_117 : i32
      %ge3A = arith.constant 5 : i32
      %ge3A_119 = arith.cmpi sge, %add3A_118, %ge3A : i32
      %lt3A = arith.constant 160 : i32
      %lt3A_120 = arith.cmpi slt, %add3A_118, %lt3A : i32
      %and3A = arith.andi %ge3A_119, %lt3A_120 : i1
      %convert_element_type3A = arith.extui %and3A : i1 to i32
      %cond3A = arith.constant 0 : i32
      %cond3A_121 = arith.cmpi ne, %convert_element_type3A, %cond3A : i32
      scf.if %cond3A_121 {
        %add3A_367 = arith.constant 0 : i32
        %add3A_368 = arith.addi %mul3A_89, %add3A_367 : i32
        %add3A_369 = arith.constant 2 : i32
        %add3A_370 = arith.addi %add3A_368, %add3A_369 : i32
        %sub3A_371 = arith.constant 4 : i32
        %sub3A_372 = arith.subi %add3A_370, %sub3A_371 : i32
        %mul3A_373 = arith.constant 20 : i32
        %mul3A_374 = arith.muli %sub3A_372, %mul3A_373 : i32
        %add3A_375 = arith.addi %mul3A_2, %mul3A_374 : i32
        %dma_wait3A_376 = arith.constant 40 : i32
        %dma_wait3A_377 = arith.constant 0 : i32
        %dma_wait3A_378 = tpu.memref_slice %arg11[%dma_wait3A_376, %dma_wait3A_377] : memref<80x1024xf32, #tpu.memory_space<vmem>> -> memref<20x1024xf32, #tpu.memory_space<vmem>>
        %dma_wait3A_379 = arith.constant 0 : i32
        %dma_wait3A_380 = tpu.memref_slice %arg6[%add3A_375, %dma_wait3A_379] : memref<81920x1024xf32, #tpu.memory_space<hbm>> -> memref<20x1024xf32, #tpu.memory_space<hbm>>
        %dma_wait3A_381 = arith.constant 0 : i32
        %dma_wait3A_382 = tpu.memref_slice %arg6[%add3A_375, %dma_wait3A_381] : memref<81920x1024xf32, #tpu.memory_space<hbm>> -> memref<20x1024xf32, #tpu.memory_space<hbm>>
        %dma_wait3A_383 = arith.constant 40 : i32
        %dma_wait3A_384 = arith.constant 0 : i32
        %dma_wait3A_385 = tpu.memref_slice %arg11[%dma_wait3A_383, %dma_wait3A_384] : memref<80x1024xf32, #tpu.memory_space<vmem>> -> memref<20x1024xf32, #tpu.memory_space<vmem>>
        tpu.wait_dma2 semaphore(%arg21 : memref<!tpu.dma_semaphore, #tpu.memory_space<semaphore_mem>>) src(%dma_wait3A_385 : memref<20x1024xf32, #tpu.memory_space<vmem>>) dst(%dma_wait3A_382 : memref<20x1024xf32, #tpu.memory_space<hbm>>)
      } else {
      }
      %lt3A_122 = arith.constant 160 : i32
      %lt3A_123 = arith.cmpi slt, %add3A_118, %lt3A_122 : i32
      %convert_element_type3A_124 = arith.extui %lt3A_123 : i1 to i32
      %cond3A_125 = arith.constant 0 : i32
      %cond3A_126 = arith.cmpi ne, %convert_element_type3A_124, %cond3A_125 : i32
      scf.if %cond3A_126 {
        %mul3A_367 = arith.constant 16 : i32
        %mul3A_368 = arith.muli %add3A_118, %mul3A_367 : i32
        %dma_start3A_369 = arith.constant 32 : i32
        %dma_start3A_370 = arith.constant 0 : i32
        %dma_start3A_371 = tpu.memref_slice %arg11[%dma_start3A_369, %dma_start3A_370] : memref<80x1024xf32, #tpu.memory_space<vmem>> -> memref<16x1024xf32, #tpu.memory_space<vmem>>
        %dma_start3A_372 = tpu.memref_slice %arg8[%mul3A_368] : memref<2560xi32, #tpu.memory_space<vmem>> -> memref<16xi32, #tpu.memory_space<vmem>>
        %dma_start3A_373 = arith.constant 0 : i32
        %dma_start3A_374 = arith.constant 0 : i32
        %dma_start3A_375 = tpu.memref_slice %arg2[%dma_start3A_373, %dma_start3A_374] : memref<1000x1024xf32, #tpu.memory_space<hbm>> -> memref<1000x1024xf32, #tpu.memory_space<hbm>>
        tpu.enqueue_indirect_dma source(%dma_start3A_375 : memref<1000x1024xf32, #tpu.memory_space<hbm>>) target(%dma_start3A_371 : memref<16x1024xf32, #tpu.memory_space<vmem>>) offsets(%dma_start3A_372 : memref<16xi32, #tpu.memory_space<vmem>>) semaphore(%arg16 : memref<!tpu.dma_semaphore, #tpu.memory_space<semaphore_mem>>)
      } else {
      }
      %add3A_127 = arith.constant 1 : i32
      %add3A_128 = arith.addi %mul3A_87, %add3A_127 : i32
      %mul3A_129 = arith.constant 16 : i32
      %mul3A_130 = arith.muli %add3A_128, %mul3A_129 : i32
      %dma_wait3A_131 = arith.constant 16 : i32
      %dma_wait3A_132 = arith.constant 0 : i32
      %dma_wait3A_133 = tpu.memref_slice %arg11[%dma_wait3A_131, %dma_wait3A_132] : memref<80x1024xf32, #tpu.memory_space<vmem>> -> memref<16x1024xf32, #tpu.memory_space<vmem>>
      %dma_wait3A_134 = tpu.memref_slice %arg8[%mul3A_130] : memref<2560xi32, #tpu.memory_space<vmem>> -> memref<16xi32, #tpu.memory_space<vmem>>
      %dma_wait3A_135 = arith.constant 0 : i32
      %dma_wait3A_136 = arith.constant 0 : i32
      %dma_wait3A_137 = tpu.memref_slice %arg2[%dma_wait3A_135, %dma_wait3A_136] : memref<1000x1024xf32, #tpu.memory_space<hbm>> -> memref<1000x1024xf32, #tpu.memory_space<hbm>>
      tpu.wait_indirect_dma semaphore(%arg15 : memref<!tpu.dma_semaphore, #tpu.memory_space<semaphore_mem>>) src(%dma_wait3A_137 : memref<1000x1024xf32, #tpu.memory_space<hbm>>) dst(%dma_wait3A_133 : memref<16x1024xf32, #tpu.memory_space<vmem>>)
      %mul3A_138 = arith.constant 16 : i32
      %mul3A_139 = arith.muli %add3A_128, %mul3A_138 : i32
      %get3A_140 = arith.index_cast %mul3A_139 : i32 to index
      %get3A_141 = tpu.vector_load %arg8[%get3A_140] {strides = array<i32>} : memref<2560xi32, #tpu.memory_space<vmem>>, vector<16xi32>,
      %mul3A_142 = arith.constant 16 : i32
      %mul3A_143 = arith.muli %add3A_128, %mul3A_142 : i32
      %get3A_144 = arith.index_cast %mul3A_143 : i32 to index
      %get3A_145 = tpu.vector_load %arg9[%get3A_144] {strides = array<i32>} : memref<2560xi32, #tpu.memory_space<vmem>>, vector<16xi32>,
      %add3A_146 = arith.constant 16 : i32
      %add3A_147 = vector.broadcast %add3A_146 : i32 to vector<16xi32>
      %add3A_148 = arith.addi %iota3A, %add3A_147 : vector<16xi32>
      %gather3A_149 = tpu.vector_load_idx %arg11[%add3A_148, %get3A_145] : memref<80x1024xf32, #tpu.memory_space<vmem>>[vector<16xi32>, vector<16xi32>], vector<16xf32>,
      %gather3A_150 = tpu.vector_load_idx %arg10[%get3A_141] : memref<1000xf32, #tpu.memory_space<vmem>>[vector<16xi32>], vector<16xf32>,
      %get3A_151 = arith.constant 0 : index
      %get3A_152 = tpu.vector_load %arg12[%get3A_151] {strides = array<i32>} : memref<16xf32, #tpu.memory_space<vmem>>, vector<16xf32>,
      %sub3A_153 = arith.subf %gather3A_150, %gather3A_149 : vector<16xf32>
      %add3A_154 = arith.addf %get3A_152, %sub3A_153 : vector<16xf32>
      %swap3A_155 = arith.constant 0 : index
      %swap3A_156 = tpu.vector_load %arg12[%swap3A_155] {strides = array<i32>} : memref<16xf32, #tpu.memory_space<vmem>>, vector<16xf32>,
      tpu.vector_store %arg12[%swap3A_155], %add3A_154 {strides = array<i32>} : memref<16xf32, #tpu.memory_space<vmem>>, vector<16xf32>,
      %add3A_157 = arith.constant 1 : i32
      %add3A_158 = arith.addi %mul3A_89, %add3A_157 : i32
      %sub3A_159 = arith.constant 1 : i32
      %sub3A_160 = arith.subi %add3A_158, %sub3A_159 : i32
      %mul3A_161 = arith.constant 20 : i32
      %mul3A_162 = arith.muli %sub3A_160, %mul3A_161 : i32
      %add3A_163 = arith.addi %mul3A_2, %mul3A_162 : i32
      %dma_start3A_164 = arith.constant 0 : i32
      %dma_start3A_165 = arith.constant 0 : i32
      %dma_start3A_166 = tpu.memref_slice %arg11[%dma_start3A_164, %dma_start3A_165] : memref<80x1024xf32, #tpu.memory_space<vmem>> -> memref<20x1024xf32, #tpu.memory_space<vmem>>
      %dma_start3A_167 = arith.constant 0 : i32
      %dma_start3A_168 = tpu.memref_slice %arg6[%add3A_163, %dma_start3A_167] : memref<81920x1024xf32, #tpu.memory_space<hbm>> -> memref<20x1024xf32, #tpu.memory_space<hbm>>
      %dma_start3A_169 = arith.constant 0 : i32
      %dma_start3A_170 = tpu.memref_slice %arg6[%add3A_163, %dma_start3A_169] : memref<81920x1024xf32, #tpu.memory_space<hbm>> -> memref<20x1024xf32, #tpu.memory_space<hbm>>
      %dma_start3A_171 = arith.constant 0 : i32
      %dma_start3A_172 = arith.constant 0 : i32
      %dma_start3A_173 = tpu.memref_slice %arg11[%dma_start3A_171, %dma_start3A_172] : memref<80x1024xf32, #tpu.memory_space<vmem>> -> memref<20x1024xf32, #tpu.memory_space<vmem>>
      tpu.enqueue_dma source(%dma_start3A_173 : memref<20x1024xf32, #tpu.memory_space<vmem>>) target(%dma_start3A_170 : memref<20x1024xf32, #tpu.memory_space<hbm>>) target_semaphore(%arg19 : memref<!tpu.dma_semaphore, #tpu.memory_space<semaphore_mem>>)
      %add3A_174 = arith.constant 2 : i32
      %add3A_175 = arith.addi %add3A_128, %add3A_174 : i32
      %ge3A_176 = arith.constant 5 : i32
      %ge3A_177 = arith.cmpi sge, %add3A_175, %ge3A_176 : i32
      %lt3A_178 = arith.constant 160 : i32
      %lt3A_179 = arith.cmpi slt, %add3A_175, %lt3A_178 : i32
      %and3A_180 = arith.andi %ge3A_177, %lt3A_179 : i1
      %convert_element_type3A_181 = arith.extui %and3A_180 : i1 to i32
      %cond3A_182 = arith.constant 0 : i32
      %cond3A_183 = arith.cmpi ne, %convert_element_type3A_181, %cond3A_182 : i32
      scf.if %cond3A_183 {
        %add3A_367 = arith.constant 0 : i32
        %add3A_368 = arith.addi %mul3A_89, %add3A_367 : i32
        %add3A_369 = arith.constant 3 : i32
        %add3A_370 = arith.addi %add3A_368, %add3A_369 : i32
        %sub3A_371 = arith.constant 4 : i32
        %sub3A_372 = arith.subi %add3A_370, %sub3A_371 : i32
        %mul3A_373 = arith.constant 20 : i32
        %mul3A_374 = arith.muli %sub3A_372, %mul3A_373 : i32
        %add3A_375 = arith.addi %mul3A_2, %mul3A_374 : i32
        %dma_wait3A_376 = arith.constant 60 : i32
        %dma_wait3A_377 = arith.constant 0 : i32
        %dma_wait3A_378 = tpu.memref_slice %arg11[%dma_wait3A_376, %dma_wait3A_377] : memref<80x1024xf32, #tpu.memory_space<vmem>> -> memref<20x1024xf32, #tpu.memory_space<vmem>>
        %dma_wait3A_379 = arith.constant 0 : i32
        %dma_wait3A_380 = tpu.memref_slice %arg6[%add3A_375, %dma_wait3A_379] : memref<81920x1024xf32, #tpu.memory_space<hbm>> -> memref<20x1024xf32, #tpu.memory_space<hbm>>
        %dma_wait3A_381 = arith.constant 0 : i32
        %dma_wait3A_382 = tpu.memref_slice %arg6[%add3A_375, %dma_wait3A_381] : memref<81920x1024xf32, #tpu.memory_space<hbm>> -> memref<20x1024xf32, #tpu.memory_space<hbm>>
        %dma_wait3A_383 = arith.constant 60 : i32
        %dma_wait3A_384 = arith.constant 0 : i32
        %dma_wait3A_385 = tpu.memref_slice %arg11[%dma_wait3A_383, %dma_wait3A_384] : memref<80x1024xf32, #tpu.memory_space<vmem>> -> memref<20x1024xf32, #tpu.memory_space<vmem>>
        tpu.wait_dma2 semaphore(%arg22 : memref<!tpu.dma_semaphore, #tpu.memory_space<semaphore_mem>>) src(%dma_wait3A_385 : memref<20x1024xf32, #tpu.memory_space<vmem>>) dst(%dma_wait3A_382 : memref<20x1024xf32, #tpu.memory_space<hbm>>)
      } else {
      }
      %lt3A_184 = arith.constant 160 : i32
      %lt3A_185 = arith.cmpi slt, %add3A_175, %lt3A_184 : i32
      %convert_element_type3A_186 = arith.extui %lt3A_185 : i1 to i32
      %cond3A_187 = arith.constant 0 : i32
      %cond3A_188 = arith.cmpi ne, %convert_element_type3A_186, %cond3A_187 : i32
      scf.if %cond3A_188 {
        %mul3A_367 = arith.constant 16 : i32
        %mul3A_368 = arith.muli %add3A_175, %mul3A_367 : i32
        %dma_start3A_369 = arith.constant 48 : i32
        %dma_start3A_370 = arith.constant 0 : i32
        %dma_start3A_371 = tpu.memref_slice %arg11[%dma_start3A_369, %dma_start3A_370] : memref<80x1024xf32, #tpu.memory_space<vmem>> -> memref<16x1024xf32, #tpu.memory_space<vmem>>
        %dma_start3A_372 = tpu.memref_slice %arg8[%mul3A_368] : memref<2560xi32, #tpu.memory_space<vmem>> -> memref<16xi32, #tpu.memory_space<vmem>>
        %dma_start3A_373 = arith.constant 0 : i32
        %dma_start3A_374 = arith.constant 0 : i32
        %dma_start3A_375 = tpu.memref_slice %arg2[%dma_start3A_373, %dma_start3A_374] : memref<1000x1024xf32, #tpu.memory_space<hbm>> -> memref<1000x1024xf32, #tpu.memory_space<hbm>>
        tpu.enqueue_indirect_dma source(%dma_start3A_375 : memref<1000x1024xf32, #tpu.memory_space<hbm>>) target(%dma_start3A_371 : memref<16x1024xf32, #tpu.memory_space<vmem>>) offsets(%dma_start3A_372 : memref<16xi32, #tpu.memory_space<vmem>>) semaphore(%arg17 : memref<!tpu.dma_semaphore, #tpu.memory_space<semaphore_mem>>)
      } else {
      }
      %add3A_189 = arith.constant 2 : i32
      %add3A_190 = arith.addi %mul3A_87, %add3A_189 : i32
      %mul3A_191 = arith.constant 16 : i32
      %mul3A_192 = arith.muli %add3A_190, %mul3A_191 : i32
      %dma_wait3A_193 = arith.constant 32 : i32
      %dma_wait3A_194 = arith.constant 0 : i32
      %dma_wait3A_195 = tpu.memref_slice %arg11[%dma_wait3A_193, %dma_wait3A_194] : memref<80x1024xf32, #tpu.memory_space<vmem>> -> memref<16x1024xf32, #tpu.memory_space<vmem>>
      %dma_wait3A_196 = tpu.memref_slice %arg8[%mul3A_192] : memref<2560xi32, #tpu.memory_space<vmem>> -> memref<16xi32, #tpu.memory_space<vmem>>
      %dma_wait3A_197 = arith.constant 0 : i32
      %dma_wait3A_198 = arith.constant 0 : i32
      %dma_wait3A_199 = tpu.memref_slice %arg2[%dma_wait3A_197, %dma_wait3A_198] : memref<1000x1024xf32, #tpu.memory_space<hbm>> -> memref<1000x1024xf32, #tpu.memory_space<hbm>>
      tpu.wait_indirect_dma semaphore(%arg16 : memref<!tpu.dma_semaphore, #tpu.memory_space<semaphore_mem>>) src(%dma_wait3A_199 : memref<1000x1024xf32, #tpu.memory_space<hbm>>) dst(%dma_wait3A_195 : memref<16x1024xf32, #tpu.memory_space<vmem>>)
      %mul3A_200 = arith.constant 16 : i32
      %mul3A_201 = arith.muli %add3A_190, %mul3A_200 : i32
      %get3A_202 = arith.index_cast %mul3A_201 : i32 to index
      %get3A_203 = tpu.vector_load %arg8[%get3A_202] {strides = array<i32>} : memref<2560xi32, #tpu.memory_space<vmem>>, vector<16xi32>,
      %mul3A_204 = arith.constant 16 : i32
      %mul3A_205 = arith.muli %add3A_190, %mul3A_204 : i32
      %get3A_206 = arith.index_cast %mul3A_205 : i32 to index
      %get3A_207 = tpu.vector_load %arg9[%get3A_206] {strides = array<i32>} : memref<2560xi32, #tpu.memory_space<vmem>>, vector<16xi32>,
      %add3A_208 = arith.constant 32 : i32
      %add3A_209 = vector.broadcast %add3A_208 : i32 to vector<16xi32>
      %add3A_210 = arith.addi %iota3A, %add3A_209 : vector<16xi32>
      %gather3A_211 = tpu.vector_load_idx %arg11[%add3A_210, %get3A_207] : memref<80x1024xf32, #tpu.memory_space<vmem>>[vector<16xi32>, vector<16xi32>], vector<16xf32>,
      %gather3A_212 = tpu.vector_load_idx %arg10[%get3A_203] : memref<1000xf32, #tpu.memory_space<vmem>>[vector<16xi32>], vector<16xf32>,
      %get3A_213 = arith.constant 0 : index
      %get3A_214 = tpu.vector_load %arg12[%get3A_213] {strides = array<i32>} : memref<16xf32, #tpu.memory_space<vmem>>, vector<16xf32>,
      %sub3A_215 = arith.subf %gather3A_212, %gather3A_211 : vector<16xf32>
      %add3A_216 = arith.addf %get3A_214, %sub3A_215 : vector<16xf32>
      %swap3A_217 = arith.constant 0 : index
      %swap3A_218 = tpu.vector_load %arg12[%swap3A_217] {strides = array<i32>} : memref<16xf32, #tpu.memory_space<vmem>>, vector<16xf32>,
      tpu.vector_store %arg12[%swap3A_217], %add3A_216 {strides = array<i32>} : memref<16xf32, #tpu.memory_space<vmem>>, vector<16xf32>,
      %add3A_219 = arith.constant 2 : i32
      %add3A_220 = arith.addi %mul3A_89, %add3A_219 : i32
      %sub3A_221 = arith.constant 1 : i32
      %sub3A_222 = arith.subi %add3A_220, %sub3A_221 : i32
      %mul3A_223 = arith.constant 20 : i32
      %mul3A_224 = arith.muli %sub3A_222, %mul3A_223 : i32
      %add3A_225 = arith.addi %mul3A_2, %mul3A_224 : i32
      %dma_start3A_226 = arith.constant 20 : i32
      %dma_start3A_227 = arith.constant 0 : i32
      %dma_start3A_228 = tpu.memref_slice %arg11[%dma_start3A_226, %dma_start3A_227] : memref<80x1024xf32, #tpu.memory_space<vmem>> -> memref<20x1024xf32, #tpu.memory_space<vmem>>
      %dma_start3A_229 = arith.constant 0 : i32
      %dma_start3A_230 = tpu.memref_slice %arg6[%add3A_225, %dma_start3A_229] : memref<81920x1024xf32, #tpu.memory_space<hbm>> -> memref<20x1024xf32, #tpu.memory_space<hbm>>
      %dma_start3A_231 = arith.constant 0 : i32
      %dma_start3A_232 = tpu.memref_slice %arg6[%add3A_225, %dma_start3A_231] : memref<81920x1024xf32, #tpu.memory_space<hbm>> -> memref<20x1024xf32, #tpu.memory_space<hbm>>
      %dma_start3A_233 = arith.constant 20 : i32
      %dma_start3A_234 = arith.constant 0 : i32
      %dma_start3A_235 = tpu.memref_slice %arg11[%dma_start3A_233, %dma_start3A_234] : memref<80x1024xf32, #tpu.memory_space<vmem>> -> memref<20x1024xf32, #tpu.memory_space<vmem>>
      tpu.enqueue_dma source(%dma_start3A_235 : memref<20x1024xf32, #tpu.memory_space<vmem>>) target(%dma_start3A_232 : memref<20x1024xf32, #tpu.memory_space<hbm>>) target_semaphore(%arg20 : memref<!tpu.dma_semaphore, #tpu.memory_space<semaphore_mem>>)
      %add3A_236 = arith.constant 2 : i32
      %add3A_237 = arith.addi %add3A_190, %add3A_236 : i32
      %lt3A_238 = arith.constant 160 : i32
      %lt3A_239 = arith.cmpi slt, %add3A_237, %lt3A_238 : i32
      %convert_element_type3A_240 = arith.extui %lt3A_239 : i1 to i32
      %cond3A_241 = arith.constant 0 : i32
      %cond3A_242 = arith.cmpi ne, %convert_element_type3A_240, %cond3A_241 : i32
      scf.if %cond3A_242 {
        %mul3A_367 = arith.constant 16 : i32
        %mul3A_368 = arith.muli %add3A_237, %mul3A_367 : i32
        %dma_start3A_369 = arith.constant 64 : i32
        %dma_start3A_370 = arith.constant 0 : i32
        %dma_start3A_371 = tpu.memref_slice %arg11[%dma_start3A_369, %dma_start3A_370] : memref<80x1024xf32, #tpu.memory_space<vmem>> -> memref<16x1024xf32, #tpu.memory_space<vmem>>
        %dma_start3A_372 = tpu.memref_slice %arg8[%mul3A_368] : memref<2560xi32, #tpu.memory_space<vmem>> -> memref<16xi32, #tpu.memory_space<vmem>>
        %dma_start3A_373 = arith.constant 0 : i32
        %dma_start3A_374 = arith.constant 0 : i32
        %dma_start3A_375 = tpu.memref_slice %arg2[%dma_start3A_373, %dma_start3A_374] : memref<1000x1024xf32, #tpu.memory_space<hbm>> -> memref<1000x1024xf32, #tpu.memory_space<hbm>>
        tpu.enqueue_indirect_dma source(%dma_start3A_375 : memref<1000x1024xf32, #tpu.memory_space<hbm>>) target(%dma_start3A_371 : memref<16x1024xf32, #tpu.memory_space<vmem>>) offsets(%dma_start3A_372 : memref<16xi32, #tpu.memory_space<vmem>>) semaphore(%arg18 : memref<!tpu.dma_semaphore, #tpu.memory_space<semaphore_mem>>)
      } else {
      }
      %add3A_243 = arith.constant 3 : i32
      %add3A_244 = arith.addi %mul3A_87, %add3A_243 : i32
      %mul3A_245 = arith.constant 16 : i32
      %mul3A_246 = arith.muli %add3A_244, %mul3A_245 : i32
      %dma_wait3A_247 = arith.constant 48 : i32
      %dma_wait3A_248 = arith.constant 0 : i32
      %dma_wait3A_249 = tpu.memref_slice %arg11[%dma_wait3A_247, %dma_wait3A_248] : memref<80x1024xf32, #tpu.memory_space<vmem>> -> memref<16x1024xf32, #tpu.memory_space<vmem>>
      %dma_wait3A_250 = tpu.memref_slice %arg8[%mul3A_246] : memref<2560xi32, #tpu.memory_space<vmem>> -> memref<16xi32, #tpu.memory_space<vmem>>
      %dma_wait3A_251 = arith.constant 0 : i32
      %dma_wait3A_252 = arith.constant 0 : i32
      %dma_wait3A_253 = tpu.memref_slice %arg2[%dma_wait3A_251, %dma_wait3A_252] : memref<1000x1024xf32, #tpu.memory_space<hbm>> -> memref<1000x1024xf32, #tpu.memory_space<hbm>>
      tpu.wait_indirect_dma semaphore(%arg17 : memref<!tpu.dma_semaphore, #tpu.memory_space<semaphore_mem>>) src(%dma_wait3A_253 : memref<1000x1024xf32, #tpu.memory_space<hbm>>) dst(%dma_wait3A_249 : memref<16x1024xf32, #tpu.memory_space<vmem>>)
      %mul3A_254 = arith.constant 16 : i32
      %mul3A_255 = arith.muli %add3A_244, %mul3A_254 : i32
      %get3A_256 = arith.index_cast %mul3A_255 : i32 to index
      %get3A_257 = tpu.vector_load %arg8[%get3A_256] {strides = array<i32>} : memref<2560xi32, #tpu.memory_space<vmem>>, vector<16xi32>,
      %mul3A_258 = arith.constant 16 : i32
      %mul3A_259 = arith.muli %add3A_244, %mul3A_258 : i32
      %get3A_260 = arith.index_cast %mul3A_259 : i32 to index
      %get3A_261 = tpu.vector_load %arg9[%get3A_260] {strides = array<i32>} : memref<2560xi32, #tpu.memory_space<vmem>>, vector<16xi32>,
      %add3A_262 = arith.constant 48 : i32
      %add3A_263 = vector.broadcast %add3A_262 : i32 to vector<16xi32>
      %add3A_264 = arith.addi %iota3A, %add3A_263 : vector<16xi32>
      %gather3A_265 = tpu.vector_load_idx %arg11[%add3A_264, %get3A_261] : memref<80x1024xf32, #tpu.memory_space<vmem>>[vector<16xi32>, vector<16xi32>], vector<16xf32>,
      %gather3A_266 = tpu.vector_load_idx %arg10[%get3A_257] : memref<1000xf32, #tpu.memory_space<vmem>>[vector<16xi32>], vector<16xf32>,
      %get3A_267 = arith.constant 0 : index
      %get3A_268 = tpu.vector_load %arg12[%get3A_267] {strides = array<i32>} : memref<16xf32, #tpu.memory_space<vmem>>, vector<16xf32>,
      %sub3A_269 = arith.subf %gather3A_266, %gather3A_265 : vector<16xf32>
      %add3A_270 = arith.addf %get3A_268, %sub3A_269 : vector<16xf32>
      %swap3A_271 = arith.constant 0 : index
      %swap3A_272 = tpu.vector_load %arg12[%swap3A_271] {strides = array<i32>} : memref<16xf32, #tpu.memory_space<vmem>>, vector<16xf32>,
      tpu.vector_store %arg12[%swap3A_271], %add3A_270 {strides = array<i32>} : memref<16xf32, #tpu.memory_space<vmem>>, vector<16xf32>,
      %add3A_273 = arith.constant 3 : i32
      %add3A_274 = arith.addi %mul3A_89, %add3A_273 : i32
      %sub3A_275 = arith.constant 1 : i32
      %sub3A_276 = arith.subi %add3A_274, %sub3A_275 : i32
      %mul3A_277 = arith.constant 20 : i32
      %mul3A_278 = arith.muli %sub3A_276, %mul3A_277 : i32
      %add3A_279 = arith.addi %mul3A_2, %mul3A_278 : i32
      %dma_start3A_280 = arith.constant 40 : i32
      %dma_start3A_281 = arith.constant 0 : i32
      %dma_start3A_282 = tpu.memref_slice %arg11[%dma_start3A_280, %dma_start3A_281] : memref<80x1024xf32, #tpu.memory_space<vmem>> -> memref<20x1024xf32, #tpu.memory_space<vmem>>
      %dma_start3A_283 = arith.constant 0 : i32
      %dma_start3A_284 = tpu.memref_slice %arg6[%add3A_279, %dma_start3A_283] : memref<81920x1024xf32, #tpu.memory_space<hbm>> -> memref<20x1024xf32, #tpu.memory_space<hbm>>
      %dma_start3A_285 = arith.constant 0 : i32
      %dma_start3A_286 = tpu.memref_slice %arg6[%add3A_279, %dma_start3A_285] : memref<81920x1024xf32, #tpu.memory_space<hbm>> -> memref<20x1024xf32, #tpu.memory_space<hbm>>
      %dma_start3A_287 = arith.constant 40 : i32
      %dma_start3A_288 = arith.constant 0 : i32
      %dma_start3A_289 = tpu.memref_slice %arg11[%dma_start3A_287, %dma_start3A_288] : memref<80x1024xf32, #tpu.memory_space<vmem>> -> memref<20x1024xf32, #tpu.memory_space<vmem>>
      tpu.enqueue_dma source(%dma_start3A_289 : memref<20x1024xf32, #tpu.memory_space<vmem>>) target(%dma_start3A_286 : memref<20x1024xf32, #tpu.memory_space<hbm>>) target_semaphore(%arg21 : memref<!tpu.dma_semaphore, #tpu.memory_space<semaphore_mem>>)
      %add3A_290 = arith.constant 2 : i32
      %add3A_291 = arith.addi %add3A_244, %add3A_290 : i32
      %ge3A_292 = arith.constant 5 : i32
      %ge3A_293 = arith.cmpi sge, %add3A_291, %ge3A_292 : i32
      %lt3A_294 = arith.constant 160 : i32
      %lt3A_295 = arith.cmpi slt, %add3A_291, %lt3A_294 : i32
      %and3A_296 = arith.andi %ge3A_293, %lt3A_295 : i1
      %convert_element_type3A_297 = arith.extui %and3A_296 : i1 to i32
      %cond3A_298 = arith.constant 0 : i32
      %cond3A_299 = arith.cmpi ne, %convert_element_type3A_297, %cond3A_298 : i32
      scf.if %cond3A_299 {
        %add3A_367 = arith.constant 4 : i32
        %add3A_368 = arith.addi %mul3A_89, %add3A_367 : i32
        %add3A_369 = arith.constant 0 : i32
        %add3A_370 = arith.addi %add3A_368, %add3A_369 : i32
        %sub3A_371 = arith.constant 4 : i32
        %sub3A_372 = arith.subi %add3A_370, %sub3A_371 : i32
        %mul3A_373 = arith.constant 20 : i32
        %mul3A_374 = arith.muli %sub3A_372, %mul3A_373 : i32
        %add3A_375 = arith.addi %mul3A_2, %mul3A_374 : i32
        %dma_wait3A_376 = arith.constant 0 : i32
        %dma_wait3A_377 = arith.constant 0 : i32
        %dma_wait3A_378 = tpu.memref_slice %arg11[%dma_wait3A_376, %dma_wait3A_377] : memref<80x1024xf32, #tpu.memory_space<vmem>> -> memref<20x1024xf32, #tpu.memory_space<vmem>>
        %dma_wait3A_379 = arith.constant 0 : i32
        %dma_wait3A_380 = tpu.memref_slice %arg6[%add3A_375, %dma_wait3A_379] : memref<81920x1024xf32, #tpu.memory_space<hbm>> -> memref<20x1024xf32, #tpu.memory_space<hbm>>
        %dma_wait3A_381 = arith.constant 0 : i32
        %dma_wait3A_382 = tpu.memref_slice %arg6[%add3A_375, %dma_wait3A_381] : memref<81920x1024xf32, #tpu.memory_space<hbm>> -> memref<20x1024xf32, #tpu.memory_space<hbm>>
        %dma_wait3A_383 = arith.constant 0 : i32
        %dma_wait3A_384 = arith.constant 0 : i32
        %dma_wait3A_385 = tpu.memref_slice %arg11[%dma_wait3A_383, %dma_wait3A_384] : memref<80x1024xf32, #tpu.memory_space<vmem>> -> memref<20x1024xf32, #tpu.memory_space<vmem>>
        tpu.wait_dma2 semaphore(%arg19 : memref<!tpu.dma_semaphore, #tpu.memory_space<semaphore_mem>>) src(%dma_wait3A_385 : memref<20x1024xf32, #tpu.memory_space<vmem>>) dst(%dma_wait3A_382 : memref<20x1024xf32, #tpu.memory_space<hbm>>)
      } else {
      }
      %lt3A_300 = arith.constant 160 : i32
      %lt3A_301 = arith.cmpi slt, %add3A_291, %lt3A_300 : i32
      %convert_element_type3A_302 = arith.extui %lt3A_301 : i1 to i32
      %cond3A_303 = arith.constant 0 : i32
      %cond3A_304 = arith.cmpi ne, %convert_element_type3A_302, %cond3A_303 : i32
      scf.if %cond3A_304 {
        %mul3A_367 = arith.constant 16 : i32
        %mul3A_368 = arith.muli %add3A_291, %mul3A_367 : i32
        %dma_start3A_369 = arith.constant 0 : i32
        %dma_start3A_370 = arith.constant 0 : i32
        %dma_start3A_371 = tpu.memref_slice %arg11[%dma_start3A_369, %dma_start3A_370] : memref<80x1024xf32, #tpu.memory_space<vmem>> -> memref<16x1024xf32, #tpu.memory_space<vmem>>
        %dma_start3A_372 = tpu.memref_slice %arg8[%mul3A_368] : memref<2560xi32, #tpu.memory_space<vmem>> -> memref<16xi32, #tpu.memory_space<vmem>>
        %dma_start3A_373 = arith.constant 0 : i32
        %dma_start3A_374 = arith.constant 0 : i32
        %dma_start3A_375 = tpu.memref_slice %arg2[%dma_start3A_373, %dma_start3A_374] : memref<1000x1024xf32, #tpu.memory_space<hbm>> -> memref<1000x1024xf32, #tpu.memory_space<hbm>>
        tpu.enqueue_indirect_dma source(%dma_start3A_375 : memref<1000x1024xf32, #tpu.memory_space<hbm>>) target(%dma_start3A_371 : memref<16x1024xf32, #tpu.memory_space<vmem>>) offsets(%dma_start3A_372 : memref<16xi32, #tpu.memory_space<vmem>>) semaphore(%arg14 : memref<!tpu.dma_semaphore, #tpu.memory_space<semaphore_mem>>)
      } else {
      }
      %add3A_305 = arith.constant 4 : i32
      %add3A_306 = arith.addi %mul3A_87, %add3A_305 : i32
      %mul3A_307 = arith.constant 16 : i32
      %mul3A_308 = arith.muli %add3A_306, %mul3A_307 : i32
      %dma_wait3A_309 = arith.constant 64 : i32
      %dma_wait3A_310 = arith.constant 0 : i32
      %dma_wait3A_311 = tpu.memref_slice %arg11[%dma_wait3A_309, %dma_wait3A_310] : memref<80x1024xf32, #tpu.memory_space<vmem>> -> memref<16x1024xf32, #tpu.memory_space<vmem>>
      %dma_wait3A_312 = tpu.memref_slice %arg8[%mul3A_308] : memref<2560xi32, #tpu.memory_space<vmem>> -> memref<16xi32, #tpu.memory_space<vmem>>
      %dma_wait3A_313 = arith.constant 0 : i32
      %dma_wait3A_314 = arith.constant 0 : i32
      %dma_wait3A_315 = tpu.memref_slice %arg2[%dma_wait3A_313, %dma_wait3A_314] : memref<1000x1024xf32, #tpu.memory_space<hbm>> -> memref<1000x1024xf32, #tpu.memory_space<hbm>>
      tpu.wait_indirect_dma semaphore(%arg18 : memref<!tpu.dma_semaphore, #tpu.memory_space<semaphore_mem>>) src(%dma_wait3A_315 : memref<1000x1024xf32, #tpu.memory_space<hbm>>) dst(%dma_wait3A_311 : memref<16x1024xf32, #tpu.memory_space<vmem>>)
      %mul3A_316 = arith.constant 16 : i32
      %mul3A_317 = arith.muli %add3A_306, %mul3A_316 : i32
      %get3A_318 = arith.index_cast %mul3A_317 : i32 to index
      %get3A_319 = tpu.vector_load %arg8[%get3A_318] {strides = array<i32>} : memref<2560xi32, #tpu.memory_space<vmem>>, vector<16xi32>,
      %mul3A_320 = arith.constant 16 : i32
      %mul3A_321 = arith.muli %add3A_306, %mul3A_320 : i32
      %get3A_322 = arith.index_cast %mul3A_321 : i32 to index
      %get3A_323 = tpu.vector_load %arg9[%get3A_322] {strides = array<i32>} : memref<2560xi32, #tpu.memory_space<vmem>>, vector<16xi32>,
      %add3A_324 = arith.constant 64 : i32
      %add3A_325 = vector.broadcast %add3A_324 : i32 to vector<16xi32>
      %add3A_326 = arith.addi %iota3A, %add3A_325 : vector<16xi32>
      %gather3A_327 = tpu.vector_load_idx %arg11[%add3A_326, %get3A_323] : memref<80x1024xf32, #tpu.memory_space<vmem>>[vector<16xi32>, vector<16xi32>], vector<16xf32>,
      %gather3A_328 = tpu.vector_load_idx %arg10[%get3A_319] : memref<1000xf32, #tpu.memory_space<vmem>>[vector<16xi32>], vector<16xf32>,
      %get3A_329 = arith.constant 0 : index
      %get3A_330 = tpu.vector_load %arg12[%get3A_329] {strides = array<i32>} : memref<16xf32, #tpu.memory_space<vmem>>, vector<16xf32>,
      %sub3A_331 = arith.subf %gather3A_328, %gather3A_327 : vector<16xf32>
      %add3A_332 = arith.addf %get3A_330, %sub3A_331 : vector<16xf32>
      %swap3A_333 = arith.constant 0 : index
      %swap3A_334 = tpu.vector_load %arg12[%swap3A_333] {strides = array<i32>} : memref<16xf32, #tpu.memory_space<vmem>>, vector<16xf32>,
      tpu.vector_store %arg12[%swap3A_333], %add3A_332 {strides = array<i32>} : memref<16xf32, #tpu.memory_space<vmem>>, vector<16xf32>,
      %add3A_335 = arith.constant 4 : i32
      %add3A_336 = arith.addi %mul3A_89, %add3A_335 : i32
      %sub3A_337 = arith.constant 1 : i32
      %sub3A_338 = arith.subi %add3A_336, %sub3A_337 : i32
      %mul3A_339 = arith.constant 20 : i32
      %mul3A_340 = arith.muli %sub3A_338, %mul3A_339 : i32
      %add3A_341 = arith.addi %mul3A_2, %mul3A_340 : i32
      %dma_start3A_342 = arith.constant 60 : i32
      %dma_start3A_343 = arith.constant 0 : i32
      %dma_start3A_344 = tpu.memref_slice %arg11[%dma_start3A_342, %dma_start3A_343] : memref<80x1024xf32, #tpu.memory_space<vmem>> -> memref<20x1024xf32, #tpu.memory_space<vmem>>
      %dma_start3A_345 = arith.constant 0 : i32
      %dma_start3A_346 = tpu.memref_slice %arg6[%add3A_341, %dma_start3A_345] : memref<81920x1024xf32, #tpu.memory_space<hbm>> -> memref<20x1024xf32, #tpu.memory_space<hbm>>
      %dma_start3A_347 = arith.constant 0 : i32
      %dma_start3A_348 = tpu.memref_slice %arg6[%add3A_341, %dma_start3A_347] : memref<81920x1024xf32, #tpu.memory_space<hbm>> -> memref<20x1024xf32, #tpu.memory_space<hbm>>
      %dma_start3A_349 = arith.constant 60 : i32
      %dma_start3A_350 = arith.constant 0 : i32
      %dma_start3A_351 = tpu.memref_slice %arg11[%dma_start3A_349, %dma_start3A_350] : memref<80x1024xf32, #tpu.memory_space<vmem>> -> memref<20x1024xf32, #tpu.memory_space<vmem>>
      tpu.enqueue_dma source(%dma_start3A_351 : memref<20x1024xf32, #tpu.memory_space<vmem>>) target(%dma_start3A_348 : memref<20x1024xf32, #tpu.memory_space<hbm>>) target_semaphore(%arg22 : memref<!tpu.dma_semaphore, #tpu.memory_space<semaphore_mem>>)
      %add3A_352 = arith.constant 2 : i32
      %add3A_353 = arith.addi %add3A_306, %add3A_352 : i32
      %ge3A_354 = arith.constant 5 : i32
      %ge3A_355 = arith.cmpi sge, %add3A_353, %ge3A_354 : i32
      %lt3A_356 = arith.constant 160 : i32
      %lt3A_357 = arith.cmpi slt, %add3A_353, %lt3A_356 : i32
      %and3A_358 = arith.andi %ge3A_355, %lt3A_357 : i1
      %convert_element_type3A_359 = arith.extui %and3A_358 : i1 to i32
      %cond3A_360 = arith.constant 0 : i32
      %cond3A_361 = arith.cmpi ne, %convert_element_type3A_359, %cond3A_360 : i32
      scf.if %cond3A_361 {
        %add3A_367 = arith.constant 4 : i32
        %add3A_368 = arith.addi %mul3A_89, %add3A_367 : i32
        %add3A_369 = arith.constant 1 : i32
        %add3A_370 = arith.addi %add3A_368, %add3A_369 : i32
        %sub3A_371 = arith.constant 4 : i32
        %sub3A_372 = arith.subi %add3A_370, %sub3A_371 : i32
        %mul3A_373 = arith.constant 20 : i32
        %mul3A_374 = arith.muli %sub3A_372, %mul3A_373 : i32
        %add3A_375 = arith.addi %mul3A_2, %mul3A_374 : i32
        %dma_wait3A_376 = arith.constant 20 : i32
        %dma_wait3A_377 = arith.constant 0 : i32
        %dma_wait3A_378 = tpu.memref_slice %arg11[%dma_wait3A_376, %dma_wait3A_377] : memref<80x1024xf32, #tpu.memory_space<vmem>> -> memref<20x1024xf32, #tpu.memory_space<vmem>>
        %dma_wait3A_379 = arith.constant 0 : i32
        %dma_wait3A_380 = tpu.memref_slice %arg6[%add3A_375, %dma_wait3A_379] : memref<81920x1024xf32, #tpu.memory_space<hbm>> -> memref<20x1024xf32, #tpu.memory_space<hbm>>
        %dma_wait3A_381 = arith.constant 0 : i32
        %dma_wait3A_382 = tpu.memref_slice %arg6[%add3A_375, %dma_wait3A_381] : memref<81920x1024xf32, #tpu.memory_space<hbm>> -> memref<20x1024xf32, #tpu.memory_space<hbm>>
        %dma_wait3A_383 = arith.constant 20 : i32
        %dma_wait3A_384 = arith.constant 0 : i32
        %dma_wait3A_385 = tpu.memref_slice %arg11[%dma_wait3A_383, %dma_wait3A_384] : memref<80x1024xf32, #tpu.memory_space<vmem>> -> memref<20x1024xf32, #tpu.memory_space<vmem>>
        tpu.wait_dma2 semaphore(%arg20 : memref<!tpu.dma_semaphore, #tpu.memory_space<semaphore_mem>>) src(%dma_wait3A_385 : memref<20x1024xf32, #tpu.memory_space<vmem>>) dst(%dma_wait3A_382 : memref<20x1024xf32, #tpu.memory_space<hbm>>)
      } else {
      }
      %lt3A_362 = arith.constant 160 : i32
      %lt3A_363 = arith.cmpi slt, %add3A_353, %lt3A_362 : i32
      %convert_element_type3A_364 = arith.extui %lt3A_363 : i1 to i32
      %cond3A_365 = arith.constant 0 : i32
      %cond3A_366 = arith.cmpi ne, %convert_element_type3A_364, %cond3A_365 : i32
      scf.if %cond3A_366 {
        %mul3A_367 = arith.constant 16 : i32
        %mul3A_368 = arith.muli %add3A_353, %mul3A_367 : i32
        %dma_start3A_369 = arith.constant 16 : i32
        %dma_start3A_370 = arith.constant 0 : i32
        %dma_start3A_371 = tpu.memref_slice %arg11[%dma_start3A_369, %dma_start3A_370] : memref<80x1024xf32, #tpu.memory_space<vmem>> -> memref<16x1024xf32, #tpu.memory_space<vmem>>
        %dma_start3A_372 = tpu.memref_slice %arg8[%mul3A_368] : memref<2560xi32, #tpu.memory_space<vmem>> -> memref<16xi32, #tpu.memory_space<vmem>>
        %dma_start3A_373 = arith.constant 0 : i32
        %dma_start3A_374 = arith.constant 0 : i32
        %dma_start3A_375 = tpu.memref_slice %arg2[%dma_start3A_373, %dma_start3A_374] : memref<1000x1024xf32, #tpu.memory_space<hbm>> -> memref<1000x1024xf32, #tpu.memory_space<hbm>>
        tpu.enqueue_indirect_dma source(%dma_start3A_375 : memref<1000x1024xf32, #tpu.memory_space<hbm>>) target(%dma_start3A_371 : memref<16x1024xf32, #tpu.memory_space<vmem>>) offsets(%dma_start3A_372 : memref<16xi32, #tpu.memory_space<vmem>>) semaphore(%arg15 : memref<!tpu.dma_semaphore, #tpu.memory_space<semaphore_mem>>)
      } else {
      }
    }
    %scan3A_32 = arith.constant 32 : i32
    %add3A_33 = arith.constant 2480 : i32
    %add3A_34 = arith.addi %mul3A_2, %add3A_33 : i32
    %dma_wait3A_35 = arith.constant 0 : i32
    %dma_wait3A_36 = arith.constant 0 : i32
    %dma_wait3A_37 = tpu.memref_slice %arg11[%dma_wait3A_35, %dma_wait3A_36] : memref<80x1024xf32, #tpu.memory_space<vmem>> -> memref<20x1024xf32, #tpu.memory_space<vmem>>
    %dma_wait3A_38 = arith.constant 0 : i32
    %dma_wait3A_39 = tpu.memref_slice %arg6[%add3A_34, %dma_wait3A_38] : memref<81920x1024xf32, #tpu.memory_space<hbm>> -> memref<20x1024xf32, #tpu.memory_space<hbm>>
    %dma_wait3A_40 = arith.constant 0 : i32
    %dma_wait3A_41 = tpu.memref_slice %arg6[%add3A_34, %dma_wait3A_40] : memref<81920x1024xf32, #tpu.memory_space<hbm>> -> memref<20x1024xf32, #tpu.memory_space<hbm>>
    %dma_wait3A_42 = arith.constant 0 : i32
    %dma_wait3A_43 = arith.constant 0 : i32
    %dma_wait3A_44 = tpu.memref_slice %arg11[%dma_wait3A_42, %dma_wait3A_43] : memref<80x1024xf32, #tpu.memory_space<vmem>> -> memref<20x1024xf32, #tpu.memory_space<vmem>>
    tpu.wait_dma2 semaphore(%arg19 : memref<!tpu.dma_semaphore, #tpu.memory_space<semaphore_mem>>) src(%dma_wait3A_44 : memref<20x1024xf32, #tpu.memory_space<vmem>>) dst(%dma_wait3A_41 : memref<20x1024xf32, #tpu.memory_space<hbm>>)
    %add3A_45 = arith.constant 2500 : i32
    %add3A_46 = arith.addi %mul3A_2, %add3A_45 : i32
    %dma_wait3A_47 = arith.constant 20 : i32
    %dma_wait3A_48 = arith.constant 0 : i32
    %dma_wait3A_49 = tpu.memref_slice %arg11[%dma_wait3A_47, %dma_wait3A_48] : memref<80x1024xf32, #tpu.memory_space<vmem>> -> memref<20x1024xf32, #tpu.memory_space<vmem>>
    %dma_wait3A_50 = arith.constant 0 : i32
    %dma_wait3A_51 = tpu.memref_slice %arg6[%add3A_46, %dma_wait3A_50] : memref<81920x1024xf32, #tpu.memory_space<hbm>> -> memref<20x1024xf32, #tpu.memory_space<hbm>>
    %dma_wait3A_52 = arith.constant 0 : i32
    %dma_wait3A_53 = tpu.memref_slice %arg6[%add3A_46, %dma_wait3A_52] : memref<81920x1024xf32, #tpu.memory_space<hbm>> -> memref<20x1024xf32, #tpu.memory_space<hbm>>
    %dma_wait3A_54 = arith.constant 20 : i32
    %dma_wait3A_55 = arith.constant 0 : i32
    %dma_wait3A_56 = tpu.memref_slice %arg11[%dma_wait3A_54, %dma_wait3A_55] : memref<80x1024xf32, #tpu.memory_space<vmem>> -> memref<20x1024xf32, #tpu.memory_space<vmem>>
    tpu.wait_dma2 semaphore(%arg20 : memref<!tpu.dma_semaphore, #tpu.memory_space<semaphore_mem>>) src(%dma_wait3A_56 : memref<20x1024xf32, #tpu.memory_space<vmem>>) dst(%dma_wait3A_53 : memref<20x1024xf32, #tpu.memory_space<hbm>>)
    %add3A_57 = arith.constant 2520 : i32
    %add3A_58 = arith.addi %mul3A_2, %add3A_57 : i32
    %dma_wait3A_59 = arith.constant 40 : i32
    %dma_wait3A_60 = arith.constant 0 : i32
    %dma_wait3A_61 = tpu.memref_slice %arg11[%dma_wait3A_59, %dma_wait3A_60] : memref<80x1024xf32, #tpu.memory_space<vmem>> -> memref<20x1024xf32, #tpu.memory_space<vmem>>
    %dma_wait3A_62 = arith.constant 0 : i32
    %dma_wait3A_63 = tpu.memref_slice %arg6[%add3A_58, %dma_wait3A_62] : memref<81920x1024xf32, #tpu.memory_space<hbm>> -> memref<20x1024xf32, #tpu.memory_space<hbm>>
    %dma_wait3A_64 = arith.constant 0 : i32
    %dma_wait3A_65 = tpu.memref_slice %arg6[%add3A_58, %dma_wait3A_64] : memref<81920x1024xf32, #tpu.memory_space<hbm>> -> memref<20x1024xf32, #tpu.memory_space<hbm>>
    %dma_wait3A_66 = arith.constant 40 : i32
    %dma_wait3A_67 = arith.constant 0 : i32
    %dma_wait3A_68 = tpu.memref_slice %arg11[%dma_wait3A_66, %dma_wait3A_67] : memref<80x1024xf32, #tpu.memory_space<vmem>> -> memref<20x1024xf32, #tpu.memory_space<vmem>>
    tpu.wait_dma2 semaphore(%arg21 : memref<!tpu.dma_semaphore, #tpu.memory_space<semaphore_mem>>) src(%dma_wait3A_68 : memref<20x1024xf32, #tpu.memory_space<vmem>>) dst(%dma_wait3A_65 : memref<20x1024xf32, #tpu.memory_space<hbm>>)
    %add3A_69 = arith.constant 2540 : i32
    %add3A_70 = arith.addi %mul3A_2, %add3A_69 : i32
    %dma_wait3A_71 = arith.constant 60 : i32
    %dma_wait3A_72 = arith.constant 0 : i32
    %dma_wait3A_73 = tpu.memref_slice %arg11[%dma_wait3A_71, %dma_wait3A_72] : memref<80x1024xf32, #tpu.memory_space<vmem>> -> memref<20x1024xf32, #tpu.memory_space<vmem>>
    %dma_wait3A_74 = arith.constant 0 : i32
    %dma_wait3A_75 = tpu.memref_slice %arg6[%add3A_70, %dma_wait3A_74] : memref<81920x1024xf32, #tpu.memory_space<hbm>> -> memref<20x1024xf32, #tpu.memory_space<hbm>>
    %dma_wait3A_76 = arith.constant 0 : i32
    %dma_wait3A_77 = tpu.memref_slice %arg6[%add3A_70, %dma_wait3A_76] : memref<81920x1024xf32, #tpu.memory_space<hbm>> -> memref<20x1024xf32, #tpu.memory_space<hbm>>
    %dma_wait3A_78 = arith.constant 60 : i32
    %dma_wait3A_79 = arith.constant 0 : i32
    %dma_wait3A_80 = tpu.memref_slice %arg11[%dma_wait3A_78, %dma_wait3A_79] : memref<80x1024xf32, #tpu.memory_space<vmem>> -> memref<20x1024xf32, #tpu.memory_space<vmem>>
    tpu.wait_dma2 semaphore(%arg22 : memref<!tpu.dma_semaphore, #tpu.memory_space<semaphore_mem>>) src(%dma_wait3A_80 : memref<20x1024xf32, #tpu.memory_space<vmem>>) dst(%dma_wait3A_77 : memref<20x1024xf32, #tpu.memory_space<hbm>>)
    "tpu.region"() ({
      %run_scoped3A = tpu.sem_alloc : memref<!tpu.dma_semaphore, #tpu.memory_space<semaphore_mem>>
      %dma_start3A_81 = arith.constant 0 : i32
      %dma_start3A_82 = tpu.memref_slice %arg7[%add3A, %dma_start3A_81] : memref<32x16xf32, #tpu.memory_space<hbm>> -> memref<1x16xf32, #tpu.memory_space<hbm>>
      %dma_start3A_83 = tpu.memref_squeeze %dma_start3A_82 : memref<1x16xf32, #tpu.memory_space<hbm>> -> memref<16xf32, #tpu.memory_space<hbm>>
      %dma_start3A_84 = arith.constant 0 : i32
      %dma_start3A_85 = tpu.memref_slice %arg7[%add3A, %dma_start3A_84] : memref<32x16xf32, #tpu.memory_space<hbm>> -> memref<1x16xf32, #tpu.memory_space<hbm>>
      %dma_start3A_86 = tpu.memref_squeeze %dma_start3A_85 : memref<1x16xf32, #tpu.memory_space<hbm>> -> memref<16xf32, #tpu.memory_space<hbm>>
      tpu.enqueue_dma source(%arg12 : memref<16xf32, #tpu.memory_space<vmem>>) target(%dma_start3A_86 : memref<16xf32, #tpu.memory_space<hbm>>) target_semaphore(%run_scoped3A : memref<!tpu.dma_semaphore, #tpu.memory_space<semaphore_mem>>)
      %dma_wait3A_87 = arith.constant 0 : i32
      %dma_wait3A_88 = tpu.memref_slice %arg7[%add3A, %dma_wait3A_87] : memref<32x16xf32, #tpu.memory_space<hbm>> -> memref<1x16xf32, #tpu.memory_space<hbm>>
      %dma_wait3A_89 = tpu.memref_squeeze %dma_wait3A_88 : memref<1x16xf32, #tpu.memory_space<hbm>> -> memref<16xf32, #tpu.memory_space<hbm>>
      %dma_wait3A_90 = arith.constant 0 : i32
      %dma_wait3A_91 = tpu.memref_slice %arg7[%add3A, %dma_wait3A_90] : memref<32x16xf32, #tpu.memory_space<hbm>> -> memref<1x16xf32, #tpu.memory_space<hbm>>
      %dma_wait3A_92 = tpu.memref_squeeze %dma_wait3A_91 : memref<1x16xf32, #tpu.memory_space<hbm>> -> memref<16xf32, #tpu.memory_space<hbm>>
      tpu.wait_dma2 semaphore(%run_scoped3A : memref<!tpu.dma_semaphore, #tpu.memory_space<semaphore_mem>>) src(%arg12 : memref<16xf32, #tpu.memory_space<vmem>>) dst(%dma_wait3A_92 : memref<16xf32, #tpu.memory_space<hbm>>)
      tpu.yield
    }) : () -> ()
    return
  }
}

module attributes {stable_mosaic.version = 14 : i64} {
  func.func @body(%arg0: memref<1000x1000xf32, #tpu.memory_space<vmem>>, %arg1: memref<1000x1xf32, #tpu.memory_space<vmem>>) attributes {dimension_semantics = [], scalar_prefetch = 0 : i64, scratch_operands = 0 : i64, tpu.core_type = #tpu.core_type<tc>} {
    %get3A = arith.constant 0 : index
    %get3A_0 = arith.constant 0 : index
    %get3A_1 = vector.load %arg0[%get3A, %get3A_0] : memref<1000x1000xf32, #tpu.memory_space<vmem>>, vector<1000x1000xf32>
    %reduce_max3A = arith.constant dense<0xFF800000> : vector<1000xf32>
    %reduce_max3A_2 = vector.multi_reduction <maximumf>, %get3A_1, %reduce_max3A [1] : vector<1000x1000xf32> to vector<1000xf32>
    %broadcast_in_dim3A = vector.shape_cast %reduce_max3A_2 : vector<1000xf32> to vector<1000x1xf32>
    %sub3A = vector.broadcast %broadcast_in_dim3A : vector<1000x1xf32> to vector<1000x1000xf32>
    %sub3A_3 = arith.subf %get3A_1, %sub3A : vector<1000x1000xf32>
    %exp3A = math.exp %sub3A_3 : vector<1000x1000xf32>
    %reduce_sum3A = arith.constant dense<0.000000e+00> : vector<1000xf32>
    %reduce_sum3A_4 = vector.multi_reduction <add>, %exp3A, %reduce_sum3A [1] : vector<1000x1000xf32> to vector<1000xf32>
    %broadcast_in_dim3A_5 = vector.shape_cast %reduce_sum3A_4 : vector<1000xf32> to vector<1000x1xf32>
    %log3A = math.log %broadcast_in_dim3A_5 : vector<1000x1xf32>
    %add3A = arith.addf %log3A, %broadcast_in_dim3A : vector<1000x1xf32>
    %swap3A = arith.constant 0 : index
    %swap3A_6 = arith.constant 0 : index
    %swap3A_7 = vector.load %arg1[%swap3A, %swap3A_6] : memref<1000x1xf32, #tpu.memory_space<vmem>>, vector<1000x1xf32>
    tpu.vector_store %arg1[%swap3A, %swap3A_6], %add3A {strides = array<i32>} : memref<1000x1xf32, #tpu.memory_space<vmem>>, vector<1000x1xf32>,
    return
  }
}

module attributes {stable_mosaic.version = 14 : i64} {
  func.func @body(%arg0: i32, %arg1: i32, %arg2: memref<128x8x128xf32, #tpu.memory_space<vmem>>, %arg3: memref<1000x128xf32, #tpu.memory_space<vmem>>) attributes {dimension_semantics = [#tpu.dimension_semantics<arbitrary>, #tpu.dimension_semantics<arbitrary>], iteration_bounds = array<i64: 20, 32>, scalar_prefetch = 0 : i64, scratch_operands = 0 : i64, tpu.core_type = #tpu.core_type<tc>, window_params = [{transform_indices = @transform_0, window_bounds = array<i64: 128, 8, 128>}, {transform_indices = @transform_1, window_bounds = array<i64: 1000, 128>}]} {
    %get3A = arith.constant 0 : index
    %get3A_0 = arith.constant 0 : index
    %get3A_1 = arith.constant 0 : index
    %get3A_2 = vector.load %arg2[%get3A, %get3A_0, %get3A_1] : memref<128x8x128xf32, #tpu.memory_space<vmem>>, vector<128x8x128xf32>
    %reshape3A = vector.shape_cast %get3A_2 : vector<128x8x128xf32> to vector<128x1024xf32>
    %slice3A = vector.extract_strided_slice %reshape3A {offsets = [0, 0], sizes = [128, 1000], strides = [1, 1]} : vector<128x1024xf32> to vector<128x1000xf32>
    %transpose3A = tpu.transpose %slice3A, [1, 0] : vector<128x1000xf32> -> vector<1000x128xf32>
    %swap3A = arith.constant 0 : index
    %swap3A_3 = arith.constant 0 : index
    %swap3A_4 = vector.load %arg3[%swap3A, %swap3A_3] : memref<1000x128xf32, #tpu.memory_space<vmem>>, vector<1000x128xf32>
    tpu.vector_store %arg3[%swap3A, %swap3A_3], %transpose3A {strides = array<i32>} : memref<1000x128xf32, #tpu.memory_space<vmem>>, vector<1000x128xf32>,
    return
  }
  func.func @transform_0(%arg0: i32, %arg1: i32) -> (i32, i32, i32) {
    %c0_i32 = arith.constant 0 : i32
    %c0_i32_0 = arith.constant 0 : i32
    return %arg1, %arg0, %c0_i32 : i32, i32, i32
  }
  func.func @transform_1(%arg0: i32, %arg1: i32) -> (i32, i32) {
    %c0_i32 = arith.constant 0 : i32
    return %arg0, %arg1 : i32, i32
  }
}

module attributes {stable_mosaic.version = 14 : i64} {
  func.func @body(%arg0: memref<32x16xf32, #tpu.memory_space<vmem>>, %arg1: memref<1x1xf32, #tpu.memory_space<vmem>>) attributes {dimension_semantics = [], scalar_prefetch = 0 : i64, scratch_operands = 0 : i64, tpu.core_type = #tpu.core_type<tc>} {
    %get3A = arith.constant 0 : index
    %get3A_0 = arith.constant 0 : index
    %get3A_1 = vector.load %arg0[%get3A, %get3A_0] : memref<32x16xf32, #tpu.memory_space<vmem>>, vector<32x16xf32>
    %reduce_sum3A = arith.constant dense<0.000000e+00> : vector<32xf32>
    %reduce_sum3A_2 = vector.multi_reduction <add>, %get3A_1, %reduce_sum3A [1] : vector<32x16xf32> to vector<32xf32>
    %broadcast_in_dim3A = vector.shape_cast %reduce_sum3A_2 : vector<32xf32> to vector<32x1xf32>
    %reduce_sum3A_3 = arith.constant dense<0.000000e+00> : vector<1xf32>
    %reduce_sum3A_4 = vector.multi_reduction <add>, %broadcast_in_dim3A, %reduce_sum3A_3 [0] : vector<32x1xf32> to vector<1xf32>
    %broadcast_in_dim3A_5 = vector.shape_cast %reduce_sum3A_4 : vector<1xf32> to vector<1x1xf32>
    %mul3A = arith.constant 1.22070314E-5 : f32
    %mul3A_6 = vector.broadcast %mul3A : f32 to vector<1x1xf32>
    %mul3A_7 = arith.mulf %broadcast_in_dim3A_5, %mul3A_6 : vector<1x1xf32>
    %swap3A = arith.constant 0 : index
    %swap3A_8 = arith.constant 0 : index
    %swap3A_9 = vector.load %arg1[%swap3A, %swap3A_8] : memref<1x1xf32, #tpu.memory_space<vmem>>, vector<1x1xf32>
    tpu.vector_store %arg1[%swap3A, %swap3A_8], %mul3A_7 {strides = array<i32>} : memref<1x1xf32, #tpu.memory_space<vmem>>, vector<1x1xf32>,
    return
  }
}

</mosaic_0001>

<sc_bundles>
// kernel: kernel.6.cloned.1.call-start
scs
__scs_entry_jumppad:
0x0: {  	(pc) =	sbr.rel $0x88, $3  }
0x1: {  	(tag) =	ssettag $0x0;
	lr =	simm.s32 $0x1  }
0x2: {  	[smem:$0x3F9E] =	sst lr;
	_ =	strace $0xD0000000  }
0x3: {  	_ = 	snop  }
0x4: {  	_ = 	snop  }
0x5: {  	_ = 	snop  }
0x6: {  	_ = 	snop  }
0x7: {  	_ = 	snop  }
__scs_overlays_trampoline_lowered:
0x8: {  	[smem:$0x3FAD] =	sst s0  }
0x9: {  	[smem:$0x3FAE] =	sst s1  }
0xa: {  	[smem:$0x3FAF] =	sst s2  }
0xb: {  	[smem:$0x3FB0] =	sst s3  }
0xc: {  	[smem:$0x3FB1] =	sst s4  }
0xd: {  	[smem:$0x3FB2] =	sst s5  }
0xe: {  	[smem:$0x3FB3] =	sst s6  }
0xf: {  	[smem:$0x3FB4] =	sst s7  }
0x10: {  	[smem:$0x3FB5] =	sst s8  }
0x11: {  	[smem:$0x3FB6] =	sst s9;
	s0 =	simm.s32 @!p0 $0x0  }
0x12: {  	s1 =	sld [smem:$0x3F9C];
	s0 =	simm.s32 @p0 $0x1  }
0x13: {  	[smem:$0x3FB7] =	sst s0;
	s0 =	simm.s32 @!p1 $0x0  }
0x14: {  	s2 =	sld [smem:$0x3F9B];
	s0 =	simm.s32 @p1 $0x1  }
0x15: {  	[smem:$0x3FB8] =	sst s0;
	s0 =	simm.s32 @!p2 $0x0  }
0x16: {  	s3 =	sld [smem:$0x3FDB];
	s0 =	simm.s32 @p2 $0x1  }
0x17: {  	s4 =	simm.s32 $0x1BF5;
	[smem:$0x3FBA] =	sst s0  }
0x18: {  	s0 =	sld [smem:$0x3F9D];
	_ =	swait.ge [sflag:s4], $0x0  }
0x19: {  	s7 =	sld [smem:$0x3F9E]  }
0x1a: {  	s8 =	sadd.s32 $0xFFFFE003, lr  }
0x1b: {  	s9 =	sadd.s32 $0xFFFFFEF7, lr;
	s5 =	simm.s32 $0xFFFFFFFF;
	p2 =	slt.u32 s8, $0xFFFFF086  }
0x1c: {  	p1 =	slt.u32 s9, $0xF7A;
	s5 =	simm.s32 @!p2 $0x0  }
0x1d: {  	s5 =	simm.s32 @p1 $0x1;
	p0 =	seq.s32 s7, s2  }
0x1e: {  	s7 =	smul.u32 @!p0 $0xF7A, s2;
	p2 =	seq.s32 @!p0 s5, $0x0  }
0x1f: {  	s9 =	smul.u32 $0xF7A, s1;
	s8 =	simm.s32 @!p0 $0x1BF5;
	p2 =	por !p2, p0  }
0x20: {  	[sflag:s8] =	ssyncset.s32 @!p0 $0xFFFFF086;
	s6 =	sadd.s32 @!p0 s3, s7;
	s7 =	simm.s32 @!p0 $0x108  }
0x21: {  	s3 =	sadd.s32 s3, s9;
	s6 =	sadd.s32 @!p0 $0x88, s6;
	s7 =	simm.s32 @p2 $0x1082  }
0x22: {  	[simem:s7], [sflag:s8] =	dma.local @!p0 [hbm:s6], $0xF7A  }
0x23: {  	s9 =	sor.u32 $0xD0000000, s2;
	s6 =	simm.s32 $0x108;
	_ =	swait.ge @!p0 [sflag:s8], $0x0  }
0x24: {  	s3 =	sadd.s32 $0x88, s3;
	s6 =	simm.s32 @!p1 $0x1082;
	[sflag:s4] =	ssyncset.s32 $0xFFFFF086  }
0x25: {  	[simem:s6], [sflag:s4] =	dma.local [hbm:s3], $0xF7A  }
0x26: {  	[smem:$0x3F9E] =	sst s1;
	(tag) =	ssettag s2;
	_ =	strace s9  }
0x27: {  	s1 =	sld [smem:$0x3FAE]  }
0x28: {  	s2 =	sld [smem:$0x3FAF]  }
0x29: {  	s4 =	sld [smem:$0x3FB1]  }
0x2a: {  	p0 =	seq.s32 s5, $0x0;
	s5 =	sld [smem:$0x3FB2]  }
0x2b: {  	s6 =	sld [smem:$0x3FB3]  }
0x2c: {  	s7 =	sld [smem:$0x3FB4]  }
0x2d: {  	s3 =	simm.s32 $0x108;
	s8 =	sld [smem:$0x3FB5]  }
0x2e: {  	s3 =	simm.s32 @!p0 $0x1082;
	s9 =	sld [smem:$0x3FB6]  }
0x2f: {  	lr =	sadd.s32 s0, s3;
	s0 =	sld [smem:$0x3FAD]  }
0x30: {  	s3 =	sld [smem:$0x3FB0]  }
0x31: {  	[smem:$0x3FB9] =	sst s10  }
0x32: {  	s10 =	sld [smem:$0x3FB7];
	_ =	sdelay $0x3  }
0x33: {  	p0 =	seq.s32 s10, $0x1;
	s10 =	sld [smem:$0x3FB9];
	_ =	sdelay $0x3  }
0x34: {  	[smem:$0x3FB9] =	sst s10  }
0x35: {  	s10 =	sld [smem:$0x3FB8];
	_ =	sdelay $0x3  }
0x36: {  	p1 =	seq.s32 s10, $0x1;
	s10 =	sld [smem:$0x3FB9];
	_ =	sdelay $0x3  }
0x37: {  	[smem:$0x3FB9] =	sst s10  }
0x38: {  	s10 =	sld [smem:$0x3FBA]  }
0x39: {  	_ = 	snop;
	(pc) =	sbr.ind lr, $3  }
0x3a: {  	_ = 	snop  }
0x3b: {  	_ = 	snop  }
0x3c: {  	p2 =	seq.s32 s10, $0x1;
	s10 =	sld [smem:$0x3FB9]  }
0x3d: {  	_ =	shalt  }
0x3e: {  	_ =	shalt  }
0x3f: {  	_ =	shalt  }
0x40: {  	_ =	shalt  }
0x41: {  	_ =	shalt  }
0x42: {  	_ =	shalt  }
0x43: {  	_ =	shalt  }
0x44: {  	_ =	shalt  }
0x45: {  	_ =	shalt  }
0x46: {  	_ =	shalt  }
0x47: {  	_ =	shalt  }
0x48: {  	_ =	shalt  }
0x49: {  	_ =	shalt  }
0x4a: {  	_ =	shalt  }
0x4b: {  	_ =	shalt  }
0x4c: {  	_ =	shalt  }
0x4d: {  	_ =	shalt  }
0x4e: {  	_ =	shalt  }
0x4f: {  	_ =	shalt  }
0x50: {  	_ =	shalt  }
0x51: {  	_ =	shalt  }
0x52: {  	_ =	shalt  }
0x53: {  	_ =	shalt  }
0x54: {  	_ =	shalt  }
0x55: {  	_ =	shalt  }
0x56: {  	_ =	shalt  }
0x57: {  	_ =	shalt  }
0x58: {  	_ =	shalt  }
0x59: {  	_ =	shalt  }
0x5a: {  	_ =	shalt  }
0x5b: {  	_ =	shalt  }
0x5c: {  	_ =	shalt  }
0x5d: {  	_ =	shalt  }
0x5e: {  	_ =	shalt  }
0x5f: {  	_ =	shalt  }
0x60: {  	_ =	shalt  }
0x61: {  	_ =	shalt  }
0x62: {  	_ =	shalt  }
0x63: {  	_ =	shalt  }
0x64: {  	_ =	shalt  }
0x65: {  	_ =	shalt  }
0x66: {  	_ =	shalt  }
0x67: {  	_ =	shalt  }
0x68: {  	_ =	shalt  }
0x69: {  	_ =	shalt  }
0x6a: {  	_ =	shalt  }
0x6b: {  	_ =	shalt  }
0x6c: {  	_ =	shalt  }
0x6d: {  	_ =	shalt  }
0x6e: {  	_ =	shalt  }
0x6f: {  	_ =	shalt  }
0x70: {  	_ =	shalt  }
0x71: {  	_ =	shalt  }
0x72: {  	_ =	shalt  }
0x73: {  	_ =	shalt  }
0x74: {  	_ =	shalt  }
0x75: {  	_ =	shalt  }
0x76: {  	_ =	shalt  }
0x77: {  	_ =	shalt  }
0x78: {  	_ =	shalt  }
0x79: {  	_ =	shalt  }
0x7a: {  	_ =	shalt  }
0x7b: {  	_ =	shalt  }
0x7c: {  	_ =	shalt  }
0x7d: {  	_ =	shalt  }
0x7e: {  	_ =	shalt  }
0x7f: {  	_ =	shalt  }
0x80: {  	_ =	shalt  }
0x81: {  	_ =	shalt  }
0x82: {  	_ =	shalt  }
0x83: {  	_ =	shalt  }
0x84: {  	_ =	shalt  }
0x85: {  	_ =	shalt  }
0x86: {  	_ =	shalt  }
0x87: {  	_ =	shalt  }
.Lfunc_end0:
.L_simem_size_0:
called_computation_lowered:
.L_overlay_start_0:
0x88: {  	s2 =	sld [smem:$0x3FD9]  }
0x89: {  	s3 =	sld [smem:$0x3FFE];
	_ =	sdelay $0x1  }
0x8a: {  	s1 =	srdreg.scid  }
0x8b: {  	s0 =	sand.u32 $0x1, s1  }
0x8c: {  	s14 =	sshll.u32 s0, $0xA;
	s2 =	sadd.s32 s3, s2  }
0x8d: {  	s2 =	sadd.s32 s2, s14  }
0x8e: {  	[smem:$0x3FC5] =	sst s2  }
0x8f: {  	_ = 	snop  }
0x90: {  	s2 =	sld [smem:$0x3FD0];
	_ =	sdelay $0x2  }
0x91: {  	s15 =	simm.s32 $0xA;
	s4 =	simm.s32 $0x10  }
0x92: {  	[smem:s4], [sflag:s15] =	dma.local [hbm:s2], $0x1  }
0x93: {  	_ =	swait.eq [sflag:s15], $0x1  }
0x94: {  	[sflag:s15] =	ssyncset.done $0x0  }
0x95: {  	[sflag:s15] =	ssyncadd.s32 $0xFFFFFFFF  }
0x96: {  	s16 =	sld [smem:$0x10];
	(tm) =	ssettm $0x1  }
0x97: {  	s17 =	sld [smem:$0x3FFB];
	_ =	sdelay $0x3  }
0x98: {  	_ =	strace s17  }
0x99: {  	s3 =	sld [smem:$0x3FFC];
	_ =	sdelay $0x3  }
0x9a: {  	_ =	strace s3  }
0x9b: {  	s3 =	sld [smem:$0x3FFD];
	_ =	sdelay $0x3  }
0x9c: {  	_ =	strace s3  }
0x9d: {  	_ =	strace $0x8FFFFFFF  }
0x9e: {  	s18 =	sld [smem:$0x3FDB];
	_ =	sdelay $0x1  }
0x9f: {  	s19 =	simm.s32 $_scs_section_size  }
0xa0: {  	s5 =	simm.s32 $_size__tile_overlayer_lowered;
	s6 =	simm.s32 $_tile_overlayer_lowered  }
0xa1: {  	s22 =	simm.s32 $0x1BFF;
	s21 =	sshll.u32 s6, $0x1;
	s3 =	sadd.s32 s19, s18  }
0xa2: {  	s7 =	simm.s32 $0x0;
	s20 =	sshll.u32 s5, $0x1;
	s5 =	sadd.s32 s21, s3  }
0xa3: {  	[timem:s7], [sflag:s22] =	dma.local [hbm:s5], s20  }
0xa4: {  	_ =	swait.ge [sflag:s22], s20  }
0xa5: {  	s4 =	ssub.s32 $0x0, s20;
	[sflag:s22] =	ssyncset.done $0x0  }
0xa6: {  	[sflag:s22] =	ssyncadd.s32 s4;
	_ =	sdelay $0x1  }
0xa7: {  	s23 =	simm.s32 $0x1B8B  }
0xa8: {  	_ =	swait.ge [sflag:s23], $0x1  }
0xa9: {  	[sflag:s23] =	ssyncset.done $0x0  }
0xaa: {  	s25 =	simm.s32 $0x1B8E;
	s24 =	sld [smem:$0x3FFE];
	[sflag:s23] =	ssyncadd.s32 $0xFFFFFFFF  }
0xab: {  	s26 =	simm.s32 $execute0_lowered;
	[smem:$0x3FD2] =	sst s25  }
0xac: {  	s5 =	sshll.u32 s26, $0x1;
	_ =	strace $0x80000046;
	[dreg:$0x1] =	wrdreg $0xFFFFFFFF  }
0xad: {  	s28 =	simm.s32 $_size_execute0_lowered;
	s3 =	sadd.s32 s3, s5;
	[dreg:$0x0] =	wrdreg $0x0  }
0xae: {  	s5 =	sshll.u32 s28, $0x1;
	[dreg:$0x2] =	wrdreg s3  }
0xaf: {  	[dreg:$0x3] =	wrdreg s5  }
0xb0: {  	[dreg:$0x4] =	wrdreg $0xC0  }
0xb1: {  	_ =	task [dreg:s7], $0x5FFFF  }
0xb2: {  	[dreg:$0x1] =	wrdreg $0xFFFFFFFF  }
0xb3: {  	[dreg:$0x0] =	wrdreg $0x60  }
0xb4: {  	[dreg:$0x2] =	wrdreg s16  }
0xb5: {  	[dreg:$0x3] =	wrdreg s24  }
0xb6: {  	[dreg:$0x4] =	wrdreg $0x9  }
0xb7: {  	_ =	task.clear_ibuf [dreg:s7], $0x5FFFF;
	_ =	strace $0x90000046  }
0xb8: {  	s29 =	simm.s32 $0x9;
	_ =	strace $0x80000048  }
0xb9: {  	_ =	swait.ge [sflag:s29], $0x1  }
0xba: {  	[sflag:s29] =	ssyncadd.s32 $0xFFFFFFFF  }
0xbb: {  	_ =	strace $0x90000048  }
0xbc: {  	_ =	sfence  }
0xbd: {  	s30 =	sld [smem:$0x0];
	_ =	sdelay $0x2  }
0xbe: {  	s31 =	sshll.u32 s1, $0xD;
	s1 =	sshrl.u32 s1, $0x2  }
0xbf: {  	s3 =	sand.u32 $0x4000, s31;
	s1 =	sadd.s32 s1, s30  }
0xc0: {  	s0 =	sor.u32 s3, s0;
	s1 =	sshll.u32 s1, $0x11  }
0xc1: {  	s0 =	sor.u32 s1, s0  }
0xc2: {  	s0 =	sadd.s32 $0x8F2B, s0  }
0xc3: {  	[sflag:s0] =	ssyncadd.remote.s32 $0x1  }
0xc4: {  	_ =	sfence.sel $0xFFFF  }
0xc5: {  	[dreg:$0x0] =	wrdreg $0xFFFFFFFF;
	(pc) =	sbr.abs _section_cstart, $3  }
0xc6: {  	[dreg:$0x1] =	wrdreg $0xFFFFFFFF  }
0xc7: {  	_ =	task.clear_ibuf [dreg:s7], $0x2FFFF;
	_ =	strace $0x9FFFFFFF  }
0xc8: {  	(tm) =	ssettm $0x7FFFFFFF  }
0xc9: {  	_ =	shalt  }
tec
execute0_lowered:
.L_overlay_start_1:
0x0: {  	(tag) =	ssettag $0x1  }
0x1: {  	s0 =	srdreg.scid;
	s2 =	rddreg [dreg:$0x0]  }
0x2: {  	s10 =	stileid.u32;
	s4 =	rddreg [dreg:$0x1];
	s3 =	simm.s32 $0x0  }
0x3: {  	s13 =	simm.s32 $0x1;
	s15 =	simm.s32 $0x1400;
	s16 =	simm.s32 $0x10  }
0x4: {  	s17 =	simm.s32 $0x17E8;
	s18 =	simm.s32 $0x57E8;
	s19 =	simm.s32 $0x2  }
0x5: {  	s28 =	simm.s32 $0xB7E8;
	s29 =	simm.s32 $0x6;
	s30 =	simm.s32 $0x107E8  }
0x6: {  	s0 =	sand.u32 $0x1, s0;
	s1 =	sshll.u32 s10, $0x1;
	s20 =	smul.u32 $0x1400, s10  }
0x7: {  	[smem:$0x7FF] =	sst s3;
	s6 =	sadd.s32 $0x5C00, s4;
	s24 =	smul.u32 $0xA0000, s10  }
0x8: {  	s9 =	sadd.s32 $0x5E00, s4;
	s1 =	sor.u32 s0, s1;
	s8 =	smul.u32 $0xA00, s0  }
0x9: {  	_ =	strace $0x80000047;
	s7 =	ssub.s32 $0x2, s0;
	s0 =	smul.u32 $0x50000, s0  }
0xa: {  	[dreg:$0x3] =	wrdreg s6;
	s5 =	smul.u32 $0xA00, s1;
	s1 =	sshll.u32 s1, $0x1  }
0xb: {  	s21 =	sshrl.u32 s7, $0x1;
	s31 =	sadd.s32 s24, s9;
	s24 =	simm.s32 $0x67E8  }
0xc: {  	s1 =	sadd.s32 s1, s4;
	s6 =	sadd.s32 s8, s20;
	s0 =	sadd.s32 s0, s31  }
0xd: {  	s20 =	simm.s32 $0x97E8;
	s5 =	sshrl.u32 s5, $0x3;
	s23 =	sshll.u32 s6, $0x7  }
0xe: {  	s1 =	sadd.s32 $0xA05E00, s1;
	[dreg:$0xb] =	wrdreg s0;
	s5 =	sadd.s32 s5, s4  }
0xf: {  	s4 =	ssub.s32 s7, s21;
	[dreg:$0x6] =	wrdreg s1;
	s22 =	sadd.s32 $0xC00, s5  }
0x10: {  	s25 =	sadd.s32 s23, s9;
	s5 =	sadd.s32 $0x3400, s5;
	[dreg:$0x4] =	wrdreg s22  }
0x11: {  	s21 =	simm.s32 $0x3;
	s4 =	smax.u32 s4, $0x1;
	[dreg:$0x5] =	wrdreg s5  }
.Ltmp0:
0x12: {  	v0 =	vlaneseq.u32;
	s26 =	sadd.s32 $0x1E00, s25;
	[dreg:$0x7] =	wrdreg s4;
	(pc) =	sbr.rel .LBB2_1-.Ltmp0, $4  }
0x13: {  	v0 =	vmul.u32 $0x400, v0;
	s23 =	simm.s32 $0x4;
	s1 =	sadd.s32 $0xA00, s25;
	[dreg:$0x8] =	wrdreg s26  }
0x14: {  	s5 =	sadd.s32 $0x1400, s25;
	[dreg:$0xa] =	wrdreg s1;
	s22 =	simm.s32 $0xD7E8  }
0x15: {  	v1 =	vimm.f32 $0.0e+00;
	v2 =	vor.u32 $0x4000, v0;
	s25 =	simm.s32 $0x117E8;
	s26 =	simm.s32 $0x5;
	s1 =	simm.s32 $0x8  }
0x16: {  	v3 =	vor.u32 $0x8000, v0;
	v4 =	vor.u32 $0xC000, v0;
	v5 =	vor.u32 $0x10000, v0;
	s4 =	simm.s32 $0xB;
	[dreg:$0x9] =	wrdreg s5;
	s5 =	simm.s32 $0x0  }
.LBB2_4:
0x17: {  	s0 =	simm.s32 $0x7  }
0x18: {  	_ =	swait.ge [sflag:s0], $0x5000  }
0x19: {  	[sflag:s0] =	ssyncset.done $0x0  }
0x1a: {  	[sflag:s0] =	ssyncadd.s32 $0xFFFFB000  }
0x1b: {  	_ =	swait.ge [sflag:s1], $0x5000  }
0x1c: {  	[sflag:s1] =	ssyncset.done $0x0  }
0x1d: {  	s11 =	simm.s32 $0x9;
	[sflag:s1] =	ssyncadd.s32 $0xFFFFB000  }
0x1e: {  	_ =	swait.ge [sflag:s11], $0x5000  }
0x1f: {  	[sflag:s11] =	ssyncset.done $0x0  }
0x20: {  	s12 =	simm.s32 $0xA;
	[sflag:s11] =	ssyncadd.s32 $0xFFFFB000  }
0x21: {  	_ =	swait.ge [sflag:s12], $0x5000  }
0x22: {  	[sflag:s12] =	ssyncset.done $0x0  }
0x23: {  	s6 =	simm.s32 $0x157E8;
	s14 =	rddreg [dreg:$0x6];
	[sflag:s12] =	ssyncadd.s32 $0xFFFFB000  }
0x24: {  	[hbm4b:s14+s3] =	stream.linear.scatter [tilespmem:s6], [sflag:$0xB], $0x10, $0x38;
	[tilespmem:$0x157F8] =	vst v63  }
0x25: {  	_ =	swait.ge [sflag:s4], $0x10  }
0x26: {  	s5 =	sadd.s32 $0x1, s5;
	s31 =	rddreg [dreg:$0x7]  }
0x27: {  	p0 =	sne.s32 s5, s31  }
.Ltmp1:
0x28: {  	_ = 	snop;
	(pc) =	sbr.rel @!p0 .LBB2_5-.Ltmp1, $3  }
0x29: {  	_ =	sdelay $0x1  }
0x2a: {  	[sflag:s4] =	ssyncset.done $0x0  }
0x2b: {  	[sflag:s4] =	ssyncadd.s32 $0xFFFFFFF0  }
.LBB2_1:
0x2c: {  	s0 =	rddreg [dreg:$0x4]  }
0x2d: {  	[tilespmem:s3], [sflag:$0x1] =	stream.linear.gather [hbm4b:s0+s3], $0xA00, $0x38;
	[tilespmem:$0x157F8] =	vst v63  }
0x2e: {  	_ =	swait.ge [sflag:s13], $0xA00  }
0x2f: {  	[sflag:s13] =	ssyncset.done $0x0  }
0x30: {  	s6 =	simm.s32 $0xA00;
	s14 =	rddreg [dreg:$0x5];
	[sflag:s13] =	ssyncadd.s32 $0xFFFFF600  }
0x31: {  	[tilespmem:s6], [sflag:$0x1] =	stream.linear.gather [hbm4b:s14+s3], $0xA00, $0x38;
	[tilespmem:$0x157F8] =	vst v63  }
0x32: {  	_ =	swait.ge [sflag:s13], $0xA00  }
0x33: {  	[sflag:s13] =	ssyncset.done $0x0  }
0x34: {  	s31 =	rddreg [dreg:$0x3];
	[sflag:s13] =	ssyncadd.s32 $0xFFFFF600  }
0x35: {  	[tilespmem:s15], [sflag:$0x1] =	stream.linear.gather [hbm4b:s31+s3], $0x3E8, $0x38;
	[tilespmem:$0x157F8] =	vst v63  }
0x36: {  	_ =	swait.ge [sflag:s13], $0x3E8  }
0x37: {  	[sflag:s13] =	ssyncset.done $0x0;
	s12 =	rddreg [dreg:$0xb]  }
0x38: {  	s11 =	rddreg [dreg:$0xa];
	[sflag:s13] =	ssyncadd.s32 $0xFFFFFC18  }
0x39: {  	s10 =	rddreg [dreg:$0x9];
	[tilespmem:$0x157E8] =	vst v1  }
0x3a: {  	[tilespmem:s17], [sflag:$0x2] =	stream.indirect.gather [hbm4b:s2+s16], $0x400, s3, s16, $0xb8;
	[tilespmem:$0x157F8] =	vst v63  }
0x3b: {  	s8 =	simm.s32 $0x0;
	s6 =	simm.s32 $0xFFFFFFFD;
	s9 =	rddreg [dreg:$0x8]  }
0x3c: {  	[tilespmem:s18], [sflag:$0x3] =	stream.indirect.gather [hbm4b:s2+s16], $0x400, s16, s16, $0xb8;
	[tilespmem:$0x157F8] =	vst v63  }
.LBB2_2:
0x3d: {  	_ =	swait.ge [sflag:s19], $0x4000  }
0x3e: {  	[sflag:s19] =	ssyncset.done $0x0  }
0x3f: {  	s7 =	sshra.s32 s8, $0x2;
	[sflag:s19] =	ssyncadd.s32 $0xFFFFC000  }
0x40: {  	v6 =	vld [tilespmem:s7+$0xA00]  }
0x41: {  	v7 =	vld [tilespmem:s7+$0x0];
	_ =	sdelay $0x3  }
0x42: {  	v6 =	vadd.s32 v0, v6;
	_ =	sdelay $0x3  }
0x43: {  	v7 =	vld.idx.msk [tilespmem:v7+s15+$0x0], $0xffff  }
0x44: {  	v6 =	vld.idx.msk [tilespmem:v6+s17+$0x0], $0xffff;
	_ =	sdelay $0x1  }
0x45: {  	v8 =	vld [tilespmem:$0x157E8];
	_ =	sdelay $0x2  }
0x46: {  	v6 =	vsub.f32 v7, v6;
	_ =	sdelay $0x1  }
0x47: {  	v6 =	vadd.f32 v6, v8  }
0x48: {  	p0 =	sgt.u32 s6, $0x9A  }
0x49: {  	s31 =	simm.s32 @!p0 $0x9;
	[tilespmem:$0x157E8] =	vst v6  }
0x4a: {  	_ =	swait.ge @!p0 [sflag:s31], $0x5000  }
0x4b: {  	[sflag:s31] =	ssyncset.done @!p0 $0x0  }
0x4c: {  	s0 =	sadd.s32 $0x20, s7;
	[sflag:s31] =	ssyncadd.s32 @!p0 $0xFFFFB000  }
0x4d: {  	[tilespmem:s20], [sflag:$0x4] =	stream.indirect.gather [hbm4b:s2+s16], $0x400, s0, s16, $0xb8;
	[tilespmem:$0x157F8] =	vst v63  }
0x4e: {  	_ =	swait.ge [sflag:s21], $0x4000  }
0x4f: {  	[sflag:s21] =	ssyncset.done $0x0  }
0x50: {  	[sflag:s21] =	ssyncadd.s32 $0xFFFFC000  }
0x51: {  	v6 =	vld [tilespmem:s7+$0xA10]  }
0x52: {  	v7 =	vld [tilespmem:s7+$0x10];
	_ =	sdelay $0x3  }
0x53: {  	v6 =	vadd.s32 v2, v6;
	_ =	sdelay $0x3  }
0x54: {  	v7 =	vld.idx.msk [tilespmem:v7+s15+$0x0], $0xffff  }
0x55: {  	v6 =	vld.idx.msk [tilespmem:v6+s17+$0x0], $0xffff;
	_ =	sdelay $0x1  }
0x56: {  	v60 =	vld [tilespmem:$0x157E8];
	_ =	sdelay $0x2  }
0x57: {  	v6 =	vsub.f32 v7, v6;
	_ =	sdelay $0x1  }
0x58: {  	s14 =	sadd.s32 $0x1, s6;
	v6 =	vadd.f32 v6, v60  }
0x59: {  	p0 =	sgt.u32 s14, $0x9A  }
0x5a: {  	s31 =	simm.s32 @!p0 $0xA;
	[tilespmem:$0x157E8] =	vst v6  }
0x5b: {  	[hbm4b:s12+s3] =	stream.linear.scatter [tilespmem:s17], [sflag:$0x7], $0x5000, $0x38;
	[tilespmem:$0x157F8] =	vst v63  }
0x5c: {  	_ =	swait.ge @!p0 [sflag:s31], $0x5000  }
0x5d: {  	[sflag:s31] =	ssyncset.done @!p0 $0x0  }
0x5e: {  	s0 =	sadd.s32 $0x30, s7;
	[sflag:s31] =	ssyncadd.s32 @!p0 $0xFFFFB000  }
0x5f: {  	[tilespmem:s22], [sflag:$0x5] =	stream.indirect.gather [hbm4b:s2+s16], $0x400, s0, s16, $0xb8;
	[tilespmem:$0x157F8] =	vst v63  }
0x60: {  	_ =	swait.ge [sflag:s23], $0x4000  }
0x61: {  	[sflag:s23] =	ssyncset.done $0x0  }
0x62: {  	[sflag:s23] =	ssyncadd.s32 $0xFFFFC000  }
0x63: {  	v6 =	vld [tilespmem:s7+$0xA20]  }
0x64: {  	v7 =	vld [tilespmem:s7+$0x20];
	_ =	sdelay $0x3  }
0x65: {  	v6 =	vadd.s32 v3, v6;
	_ =	sdelay $0x3  }
0x66: {  	v7 =	vld.idx.msk [tilespmem:v7+s15+$0x0], $0xffff  }
0x67: {  	v6 =	vld.idx.msk [tilespmem:v6+s17+$0x0], $0xffff;
	_ =	sdelay $0x1  }
0x68: {  	v61 =	vld [tilespmem:$0x157E8];
	_ =	sdelay $0x2  }
0x69: {  	v6 =	vsub.f32 v7, v6;
	_ =	sdelay $0x1  }
0x6a: {  	v6 =	vadd.f32 v6, v61;
	_ =	sdelay $0x1  }
0x6b: {  	[tilespmem:$0x157E8] =	vst v6  }
0x6c: {  	[hbm4b:s11+s3] =	stream.linear.scatter [tilespmem:s24], [sflag:$0x8], $0x5000, $0x38;
	[tilespmem:$0x157F8] =	vst v63  }
0x6d: {  	s14 =	sadd.s32 $0x40, s7  }
0x6e: {  	[tilespmem:s25], [sflag:$0x6] =	stream.indirect.gather [hbm4b:s2+s16], $0x400, s14, s16, $0xb8;
	[tilespmem:$0x157F8] =	vst v63  }
0x6f: {  	_ =	swait.ge [sflag:s26], $0x4000  }
0x70: {  	[sflag:s26] =	ssyncset.done $0x0  }
0x71: {  	[sflag:s26] =	ssyncadd.s32 $0xFFFFC000  }
0x72: {  	v6 =	vld [tilespmem:s7+$0xA30]  }
0x73: {  	v7 =	vld [tilespmem:s7+$0x30];
	_ =	sdelay $0x3  }
0x74: {  	v6 =	vadd.s32 v4, v6;
	_ =	sdelay $0x3  }
0x75: {  	v7 =	vld.idx.msk [tilespmem:v7+s15+$0x0], $0xffff  }
0x76: {  	v6 =	vld.idx.msk [tilespmem:v6+s17+$0x0], $0xffff;
	_ =	sdelay $0x1  }
0x77: {  	v62 =	vld [tilespmem:$0x157E8];
	_ =	sdelay $0x2  }
0x78: {  	v6 =	vsub.f32 v7, v6;
	_ =	sdelay $0x1  }
0x79: {  	v6 =	vadd.f32 v6, v62  }
0x7a: {  	p0 =	seq.s32 s8, $0x26C0  }
0x7b: {  	s31 =	simm.s32 @!p0 $0x7;
	[tilespmem:$0x157E8] =	vst v6  }
0x7c: {  	[hbm4b:s10+s3] =	stream.linear.scatter [tilespmem:s28], [sflag:$0x9], $0x5000, $0x38;
	[tilespmem:$0x157F8] =	vst v63  }
0x7d: {  	_ =	swait.ge @!p0 [sflag:s31], $0x5000  }
0x7e: {  	[sflag:s31] =	ssyncset.done @!p0 $0x0  }
0x7f: {  	[sflag:s31] =	ssyncadd.s32 @!p0 $0xFFFFB000;
	s31 =	sshra.s32 @!p0 s8, $0x2  }
0x80: {  	s0 =	simm.s32 @!p0 $0x10;
	s14 =	simm.s32 @!p0 $0x17E8;
	s31 =	sadd.s32 @!p0 $0x50, s31  }
0x81: {  	[tilespmem:s14], [sflag:$0x2] =	stream.indirect.gather @!p0 [hbm4b:s2+s0], $0x400, s31, s0, $0xb8;
	[tilespmem:$0x157F8] =	vst v63  }
0x82: {  	_ =	swait.ge [sflag:s29], $0x4000  }
0x83: {  	[sflag:s29] =	ssyncset.done $0x0  }
0x84: {  	[sflag:s29] =	ssyncadd.s32 $0xFFFFC000  }
0x85: {  	v6 =	vld [tilespmem:s7+$0xA40]  }
0x86: {  	v7 =	vld [tilespmem:s7+$0x40];
	_ =	sdelay $0x3  }
0x87: {  	v6 =	vadd.s32 v5, v6;
	_ =	sdelay $0x3  }
0x88: {  	v7 =	vld.idx.msk [tilespmem:v7+s15+$0x0], $0xffff  }
0x89: {  	v6 =	vld.idx.msk [tilespmem:v6+s17+$0x0], $0xffff;
	_ =	sdelay $0x1  }
0x8a: {  	v63 =	vld [tilespmem:$0x157E8];
	_ =	sdelay $0x2  }
0x8b: {  	v6 =	vsub.f32 v7, v6  }
.Ltmp2:
0x8c: {  	_ = 	snop;
	(pc) =	sbr.rel @p0 .LBB2_4-.Ltmp2, $3  }
0x8d: {  	v6 =	vadd.f32 v6, v63;
	_ =	sdelay $0x1  }
0x8e: {  	[tilespmem:$0x157E8] =	vst v6  }
0x8f: {  	[hbm4b:s9+s3] =	stream.linear.scatter [tilespmem:s30], [sflag:$0xA], $0x5000, $0x38;
	[tilespmem:$0x157F8] =	vst v63  }
.Ltmp3:
0x90: {  	_ =	swait.ge [sflag:s1], $0x5000;
	(pc) =	sbr.rel .LBB2_2-.Ltmp3, $4  }
0x91: {  	s0 =	sadd.s32 $0x60, s7;
	s8 =	sadd.s32 $0x140, s8;
	s9 =	sadd.s32 $0x2800, s9  }
0x92: {  	s10 =	sadd.s32 $0x2800, s10;
	s11 =	sadd.s32 $0x2800, s11;
	[sflag:s1] =	ssyncset.done $0x0  }
0x93: {  	s12 =	sadd.s32 $0x2800, s12;
	s6 =	sadd.s32 $0x5, s6;
	[sflag:s1] =	ssyncadd.s32 $0xFFFFB000  }
0x94: {  	[tilespmem:s18], [sflag:$0x3] =	stream.indirect.gather [hbm4b:s2+s16], $0x400, s0, s16, $0xb8;
	[tilespmem:$0x157F8] =	vst v63  }
.LBB2_5:
0x95: {  	_ =	sfence.sel $0x180000  }
0x96: {  	[bflag:$0x0] =	sbarrier.arrive $0xFFFF  }
0x97: {  	_ =	strace $0x90000047  }
0x98: {  	s0 =	stileid.u32;
	[bflag:$0x2] =	sbarrier.arrive $0xFFFF  }
0x99: {  	p0 =	sne.s32 s0, $0x0;
	s0 =	rddreg [dreg:$0x2]  }
0x9a: {  	s0 =	sadd.s32 @!p0 $0x100000, s0  }
0x9b: {  	[sflag:s0] =	ssyncadd.tile.s32 @!p0 $0x1;
	_ =	shalt  }
.Lfunc_end2:
_tile_overlayer_lowered:
.L_overlay_start_2:
0x9c: {  	(tag) =	ssettag $0x2  }
0x9d: {  	s0 =	rddreg [dreg:$0x0];
	s2 =	stileid.u32  }
0x9e: {  	s1 =	rddreg [dreg:$0x1];
	p0 =	sne.s32 s2, $0x0  }
0x9f: {  	s3 =	rddreg [dreg:$0x2];
	[bflag:$0x3] =	sbarrier.arrive $0xFFFF;
	s2 =	simm.s32 @!p0 $0x1C0B  }
0xa0: {  	[timem:s3], [sflag:s2] =	dma.local @!p0 [hbm:s0], s1  }
0xa1: {  	s0 =	simm.s32 @!p0 $0xB  }
0xa2: {  	_ =	swait.ge @!p0 [sflag:s0], s1  }
0xa3: {  	s1 =	ssub.s32 @!p0 $0x0, s1;
	[sflag:s0] =	ssyncset.done @!p0 $0x0  }
0xa4: {  	[sflag:s0] =	ssyncadd.s32 @!p0 s1  }
0xa5: {  	[bflag:$0x3] =	sbarrier.arrive $0xFFFF  }
0xa6: {  	_ =	shalt  }

</sc_bundles>
